<compile_context>
chip_gen: v7x
topology: tpu7x:2x2x1
jax: 0.10.2.dev20260603
libtpu: 0.0.44.dev20260713+nightly
codegen_flags: <defaults>
</compile_context>

<pallas_src>
import functools

import jax
import jax.numpy as jnp
from jax import lax
from jax.experimental import pallas as pl
from jax.experimental.pallas import tpu as pltpu
from jax.experimental.pallas import tpu_sc as plsc

_N = 10000
_E = 320000
_D = 128
_A = 8
_B = _N // _A

_NC = 2
_NS = 16
_NW = _NC * _NS
_EPW = _E // _NW
_CH = 128
_NCHUNK = _EPW // _CH
_CHT = _EPW - _NCHUNK * _CH
_TOFF = _NCHUNK * _CH
_SPAN = 624
_ZR = 208

_RB = 2000
_GB = 256
_GRID = _N // _RB


def _sc_mesh():
    return plsc.VectorSubcoreMesh(core_axis_name="c", subcore_axis_name="s")


@functools.partial(
    pl.kernel,
    mesh=_sc_mesh(),
    out_type=jax.ShapeDtypeStruct((_NC, _N, 16), jnp.float32),
    scratch_types=[
        pltpu.VMEM((_CH,), jnp.int32),
        pltpu.VMEM((_CH,), jnp.int32),
        pltpu.VMEM((_CH,), jnp.int32),
        pltpu.VMEM((_CH,), jnp.int32),
        pltpu.VMEM((_CHT,), jnp.int32),
        pltpu.VMEM((_CH, 16), jnp.float32),
        pltpu.VMEM((_ZR, 16), jnp.float32),
        pltpu.VMEM_SHARED((_N, 16), jnp.float32),
        pltpu.SemaphoreType.DMA,
        pltpu.SemaphoreType.DMA,
        pltpu.SemaphoreType.DMA,
        pltpu.SemaphoreType.DMA,
    ],
)
def _deg_kernel(dst_hbm, degp_hbm, di0, di1, di2, di3, dit_v, ones_v,
                zero_v, deg_sh, d0, d1, d2, d3):
    c = lax.axis_index("c")
    s = lax.axis_index("s")
    wid = c * _NS + s
    didx = (di0, di1, di2, di3)
    dsem = (d0, d1, d2, d3)
    base = wid * _EPW

    def fire_i(j, k):
        off = pl.multiple_of(base + j * _CH, 8)
        pltpu.async_copy(dst_hbm.at[pl.ds(off, _CH)], didx[k], dsem[k])

    def wait_i(j, k):
        off = pl.multiple_of(base + j * _CH, 8)
        pltpu.make_async_copy(dst_hbm.at[pl.ds(off, _CH)], didx[k],
                              dsem[k]).wait()

    for t in range(4):
        fire_i(t, t)

    one16 = jnp.ones((16,), jnp.float32)
    zro16 = jnp.zeros((16,), jnp.float32)

    def fill_ones(i, _):
        ones_v[i, :] = one16
        return _

    lax.fori_loop(0, _CH, fill_ones, None)

    def fill_zero(i, _):
        zero_v[i, :] = zro16
        return _

    lax.fori_loop(0, _ZR, fill_zero, None)

    span = pl.multiple_of(s * _SPAN, 8)
    for z in range(3):
        pltpu.sync_copy(zero_v, deg_sh.at[pl.ds(span + z * _ZR, _ZR)])

    @pl.when(s == _NS - 1)
    def _zero_tail():
        pltpu.sync_copy(zero_v.at[pl.ds(0, 16)],
                        deg_sh.at[pl.ds(_NS * _SPAN, 16)])

    plsc.subcore_barrier()

    def body(i, _):
        c0 = i * 4
        for t in range(4):
            j = c0 + t
            wait_i(j, t)
            pltpu.sync_copy(ones_v, deg_sh.at[didx[t]], add=True)

            @pl.when(j + 4 < _NCHUNK)
            def _pref():
                fire_i(j + 4, t)
        return _

    lax.fori_loop(0, _NCHUNK // 4, body, None)
    for t in range(2):
        j = (_NCHUNK // 4) * 4 + t
        wait_i(j, t)
        pltpu.sync_copy(ones_v, deg_sh.at[didx[t]], add=True)

    toff = pl.multiple_of(base + _TOFF, 8)
    pltpu.sync_copy(dst_hbm.at[pl.ds(toff, _CHT)], dit_v)
    pltpu.sync_copy(ones_v.at[pl.ds(0, _CHT)], deg_sh.at[dit_v], add=True)
    plsc.subcore_barrier()

    pltpu.sync_copy(deg_sh.at[pl.ds(span, _SPAN)],
                    degp_hbm.at[c, pl.ds(span, _SPAN)])

    @pl.when(s == _NS - 1)
    def _copy_tail():
        pltpu.sync_copy(deg_sh.at[pl.ds(_NS * _SPAN, 16)],
                        degp_hbm.at[c, pl.ds(_NS * _SPAN, 16)])


@functools.partial(
    pl.kernel,
    mesh=_sc_mesh(),
    out_type=jax.ShapeDtypeStruct((_NC, _N, _D), jnp.float32),
    scratch_types=[
        pltpu.VMEM((_CH,), jnp.int32),
        pltpu.VMEM((_CH,), jnp.int32),
        pltpu.VMEM((_CH,), jnp.int32),
        pltpu.VMEM((_CH,), jnp.int32),
        pltpu.VMEM((_CH,), jnp.int32),
        pltpu.VMEM((_CH,), jnp.int32),
        pltpu.VMEM((_CH,), jnp.int32),
        pltpu.VMEM((_CH,), jnp.int32),
        pltpu.VMEM((_CHT,), jnp.int32),
        pltpu.VMEM((_CHT,), jnp.int32),
        pltpu.VMEM((_CH, _D), jnp.float32),
        pltpu.VMEM((_CH, _D), jnp.float32),
        pltpu.VMEM_SHARED((_N, _D), jnp.float32),
        pltpu.SemaphoreType.DMA,
        pltpu.SemaphoreType.DMA,
        pltpu.SemaphoreType.DMA,
        pltpu.SemaphoreType.DMA,
        pltpu.SemaphoreType.DMA,
        pltpu.SemaphoreType.DMA,
        pltpu.SemaphoreType.DMA,
        pltpu.SemaphoreType.DMA,
        pltpu.SemaphoreType.DMA,
        pltpu.SemaphoreType.DMA,
    ],
)
def _agg_kernel(src_hbm, dst_hbm, g_hbm, aggp_hbm,
                si0, si1, si2, si3, di0, di1, di2, di3, sit_v, dit_v,
                r0, r1, agg_sh,
                g0, g1, i0, i1, i2, i3, d0, d1, d2, d3):
    c = lax.axis_index("c")
    s = lax.axis_index("s")
    wid = c * _NS + s
    rows = (r0, r1)
    sidx = (si0, si1, si2, si3)
    didx = (di0, di1, di2, di3)
    gsem = (g0, g1)
    isem = (i0, i1, i2, i3)
    dsem = (d0, d1, d2, d3)
    base = wid * _EPW

    zro16 = jnp.zeros((16,), jnp.float32)

    def fill_zero(i, _):
        r = i // 8
        k = i % 8
        r0[r, pl.ds(k * 16, 16)] = zro16
        return _

    lax.fori_loop(0, _CH * 8, fill_zero, None)

    span = pl.multiple_of(s * _SPAN, 8)
    for z in range(_SPAN // _CH):
        pltpu.sync_copy(r0, agg_sh.at[pl.ds(span + z * _CH, _CH)])
    pltpu.sync_copy(r0.at[pl.ds(0, _SPAN % _CH)],
                    agg_sh.at[pl.ds(span + (_SPAN // _CH) * _CH,
                                    _SPAN % _CH)])

    @pl.when(s == _NS - 1)
    def _zero_tail():
        pltpu.sync_copy(r0.at[pl.ds(0, 16)],
                        agg_sh.at[pl.ds(_NS * _SPAN, 16)])

    plsc.subcore_barrier()

    def fire_i(j, m):
        off = pl.multiple_of(base + j * _CH, 8)
        pltpu.async_copy(src_hbm.at[pl.ds(off, _CH)], sidx[m], isem[m])
        pltpu.async_copy(dst_hbm.at[pl.ds(off, _CH)], didx[m], dsem[m])

    def wait_i(j, m):
        off = pl.multiple_of(base + j * _CH, 8)
        pltpu.make_async_copy(src_hbm.at[pl.ds(off, _CH)], sidx[m],
                              isem[m]).wait()
        pltpu.make_async_copy(dst_hbm.at[pl.ds(off, _CH)], didx[m],
                              dsem[m]).wait()

    def fire_g(j, m, k):
        pltpu.async_copy(g_hbm.at[sidx[m]], rows[k], gsem[k])

    def wait_g(m, k):
        pltpu.make_async_copy(g_hbm.at[sidx[m]], rows[k],
                              gsem[k]).wait()

    def sync_s(j, m, k):
        pltpu.sync_copy(rows[k], agg_sh.at[didx[m]], add=True)

    for t in range(4):
        fire_i(t, t)
    for t in range(2):
        wait_i(t, t)
        fire_g(t, t, t)

    def body(i, _):
        c0 = i * 4
        for t in range(4):
            c = c0 + t
            k = t % 2
            wait_g(t, k)
            sync_s(c, t, k)

            @pl.when(c + 4 < _NCHUNK)
            def _pref_i():
                fire_i(c + 4, t)

            @pl.when(c + 2 < _NCHUNK)
            def _pref_g():
                m2 = (t + 2) % 4
                wait_i(c + 2, m2)
                fire_g(c + 2, m2, k)
        return _

    lax.fori_loop(0, _NCHUNK // 4, body, None)
    for t in range(2):
        c = (_NCHUNK // 4) * 4 + t
        wait_g(t, t)
        sync_s(c, t, t)

    toff = pl.multiple_of(base + _TOFF, 8)
    pltpu.sync_copy(src_hbm.at[pl.ds(toff, _CHT)], sit_v)
    pltpu.sync_copy(dst_hbm.at[pl.ds(toff, _CHT)], dit_v)
    pltpu.async_copy(g_hbm.at[sit_v], r0.at[pl.ds(0, _CHT)], g0).wait()
    pltpu.sync_copy(r0.at[pl.ds(0, _CHT)], agg_sh.at[dit_v], add=True)
    plsc.subcore_barrier()

    pltpu.sync_copy(agg_sh.at[pl.ds(span, _SPAN)],
                    aggp_hbm.at[c, pl.ds(span, _SPAN)])

    @pl.when(s == _NS - 1)
    def _copy_tail():
        pltpu.sync_copy(agg_sh.at[pl.ds(_NS * _SPAN, 16)],
                        aggp_hbm.at[c, pl.ds(_NS * _SPAN, 16)])


def _g_body(state_ref, w_ref, degp_ref, g_ref):
    dp = degp_ref[0] + degp_ref[1]
    dinv = lax.rsqrt(dp[:, 0:1] + 1.0)
    g_ref[...] = jnp.dot(state_ref[...] * dinv, w_ref[...],
                         preferred_element_type=jnp.float32)


def _g_call(state, w_conv, degp):
    return pl.pallas_call(
        _g_body,
        grid=(_GRID,),
        in_specs=[
            pl.BlockSpec((_RB, _D), lambda i: (i, 0)),
            pl.BlockSpec((_D, _D), lambda i: (0, 0)),
            pl.BlockSpec((_NC, _RB, 16), lambda i: (0, i, 0)),
        ],
        out_specs=pl.BlockSpec((_RB, _D), lambda i: (i, 0)),
        out_shape=jax.ShapeDtypeStruct((_N, _D), jnp.float32),
    )(state, w_conv, degp)


def _head_body(aggp_ref, g_ref, state_ref, degp_ref, acol_ref, bconv_ref,
               w1a_ref, w1b_ref, b1_ref, w2_ref, b2_ref, w3_ref, b3_ref,
               out_ref):
    agg = aggp_ref[0] + aggp_ref[1]
    dp = degp_ref[0] + degp_ref[1]
    dinv = lax.rsqrt(dp[:, 0:1] + 1.0)
    conv = dinv * (agg + g_ref[...]) + bconv_ref[...]
    x = jnp.maximum(conv, 0.0) + state_ref[...]
    y1 = jnp.dot(x, w1a_ref[...], preferred_element_type=jnp.float32)
    y1 = y1 + acol_ref[...] * w1b_ref[...] + b1_ref[...]
    y1 = jnp.maximum(y1, 0.0)
    y2 = jnp.dot(y1, w2_ref[...], preferred_element_type=jnp.float32)
    y2 = jnp.maximum(y2 + b2_ref[...], 0.0)
    rows = lax.broadcasted_iota(jnp.int32, (_GB, _RB), 0)
    cols = lax.broadcasted_iota(jnp.int32, (_GB, _RB), 1)
    sel = jnp.where((cols >> 3) == rows, 1.0, 0.0)
    grp = jnp.dot(sel, y2, preferred_element_type=jnp.float32)
    out_ref[...] = jnp.dot(grp, w3_ref[...],
                           preferred_element_type=jnp.float32) + b3_ref[...]


def _head_call(aggp, g, state, degp, acol, bconv, w1a, w1b, b1, w2, b2,
               w3p, b3p):
    full = lambda shape: pl.BlockSpec(shape, lambda i: tuple(0 for _ in shape))
    return pl.pallas_call(
        _head_body,
        grid=(_GRID,),
        in_specs=[
            pl.BlockSpec((_NC, _RB, _D), lambda i: (0, i, 0)),
            pl.BlockSpec((_RB, _D), lambda i: (i, 0)),
            pl.BlockSpec((_RB, _D), lambda i: (i, 0)),
            pl.BlockSpec((_NC, _RB, 16), lambda i: (0, i, 0)),
            pl.BlockSpec((_RB, 1), lambda i: (i, 0)),
            full((1, _D)),
            full((_D, 32)),
            full((1, 32)),
            full((1, 32)),
            full((32, 32)),
            full((1, 32)),
            full((32, _D)),
            full((1, _D)),
        ],
        out_specs=pl.BlockSpec((_GB, _D), lambda i: (i, 0)),
        out_shape=jax.ShapeDtypeStruct((_GRID * _GB, _D), jnp.float32),
    )(aggp, g, state, degp, acol, bconv, w1a, w1b, b1, w2, b2, w3p, b3p)


def kernel(state, edge_index, action, W_conv, b_conv, W1, b1, W2, b2, W3, b3):
    src = edge_index[0]
    dst = edge_index[1]

    degp = _deg_kernel(dst)
    g = _g_call(state, W_conv, degp)
    aggp = _agg_kernel(src, dst, g)

    acol = action.reshape(_N, 1)
    w1a = W1[:_D]
    w1b = W1[_D:_D + 1]
    w3p = jnp.pad(W3, ((0, 0), (0, _D - 1)))
    b3p = jnp.pad(b3.reshape(1, 1), ((0, 0), (0, _D - 1)))

    out = _head_call(aggp, g, state, degp, acol, b_conv.reshape(1, _D),
                     w1a, w1b, b1.reshape(1, 32), W2, b2.reshape(1, 32),
                     w3p, b3p)

    return out[:, 0].reshape(_GRID, _GB)[:, :_B // _GRID].reshape(-1)

# --- scband reference (transcript-rebuilt; emitter-appended) ---
"""Pipeline reference for scband-gnncritic-td3-81286551044451 (READ-ONLY COPY).

The authoritative reference and input builder live on the scoring server;
editing this copy changes nothing except your own understanding.
"""

import jax, jax.numpy as jnp
import numpy as np

N = 10000
E = 320000
D = 128
H = 32
A = 8
B = N // A


def setup_inputs(seed: int = 0) -> dict:
    key = jax.random.key(seed)
    ks = jax.random.split(key, 12)
    state = jax.random.normal(ks[0], (N, D), dtype=jnp.float32)
    edge_index = jax.random.randint(ks[1], (2, E), 0, N, dtype=jnp.int32)
    action = jax.random.normal(ks[2], (B, A), dtype=jnp.float32)
    # GCNConv params (in_channels -> in_channels), stored as [in, out]
    W_conv = jax.random.normal(ks[3], (D, D), dtype=jnp.float32) * (1.0 / np.sqrt(D))
    b_conv = jnp.zeros((D,), dtype=jnp.float32)
    # lin1: (D+1) -> H
    W1 = jax.random.normal(ks[4], (D + 1, H), dtype=jnp.float32) * (1.0 / np.sqrt(D + 1))
    b1 = jnp.zeros((H,), dtype=jnp.float32)
    # lin2: H -> H
    W2 = jax.random.normal(ks[5], (H, H), dtype=jnp.float32) * (1.0 / np.sqrt(H))
    b2 = jnp.zeros((H,), dtype=jnp.float32)
    # lin3: H -> 1
    W3 = jax.random.normal(ks[6], (H, 1), dtype=jnp.float32) * (1.0 / np.sqrt(H))
    b3 = jnp.zeros((1,), dtype=jnp.float32)
    return {"state": state, "edge_index": edge_index, "action": action,
            "W_conv": W_conv, "b_conv": b_conv,
            "W1": W1, "b1": b1, "W2": W2, "b2": b2, "W3": W3, "b3": b3}


def gcn_conv(x, edge_index, W, b):
    # PyG GCNConv: add self-loops, symmetric normalization D^-1/2 (A+I) D^-1/2 X W + b
    n = x.shape[0]
    loop = jnp.arange(n, dtype=edge_index.dtype)
    src = jnp.concatenate([edge_index[0], loop])
    dst = jnp.concatenate([edge_index[1], loop])
    deg = jnp.zeros((n,), dtype=x.dtype).at[dst].add(1.0)
    dinv = jnp.where(deg > 0, deg ** -0.5, 0.0)
    norm = dinv[src] * dinv[dst]
    h = x @ W
    msg = h[src] * norm[:, None]
    out = jnp.zeros_like(h).at[dst].add(msg)
    return out + b


def reference(state, edge_index, action, W_conv, b_conv, W1, b1, W2, b2, W3, b3):
    out = jax.nn.relu(gcn_conv(state, edge_index, W_conv, b_conv))
    x = out + state
    x = x.reshape(-1, A, D)
    concat = jnp.concatenate([x, action[..., None]], axis=-1)
    x = jax.nn.relu(concat @ W1 + b1)
    x = jax.nn.relu(x @ W2 + b2)
    x = jnp.sum(x, axis=1)
    x = (x @ W3 + b3).squeeze(-1)
    return x

if __name__ == "__main__":
    import jax
    _d = setup_inputs()
    print(jax.jit(kernel)(*tuple(_d.values())))

</pallas_src>

<mosaic_0001>
#map = affine_map<(d0, d1) -> (0)>
#map1 = affine_map<(d0, d1) -> (0, 0, 0)>
module attributes {stable_mosaic.version = 14 : i64} {
  func.func @_deg_kernel(%arg0: i32, %arg1: i32, %arg2: memref<320000xi32, #tpu.memory_space<hbm>>, %arg3: memref<2x10000x16xf32, #tpu.memory_space<hbm>>, %arg4: memref<128xi32, #tpu.memory_space<vmem>>, %arg5: memref<128xi32, #tpu.memory_space<vmem>>, %arg6: memref<128xi32, #tpu.memory_space<vmem>>, %arg7: memref<128xi32, #tpu.memory_space<vmem>>, %arg8: memref<16xi32, #tpu.memory_space<vmem>>, %arg9: memref<128x16xf32, #tpu.memory_space<vmem>>, %arg10: memref<208x16xf32, #tpu.memory_space<vmem>>, %arg11: memref<10000x16xf32, #tpu.memory_space<vmem_shared>>, %arg12: memref<!tpu.dma_semaphore, #tpu.memory_space<semaphore_mem>>, %arg13: memref<!tpu.dma_semaphore, #tpu.memory_space<semaphore_mem>>, %arg14: memref<!tpu.dma_semaphore, #tpu.memory_space<semaphore_mem>>, %arg15: memref<!tpu.dma_semaphore, #tpu.memory_space<semaphore_mem>>) attributes {dimension_semantics = [#tpu.dimension_semantics<core_parallel>, #tpu.dimension_semantics<subcore_parallel>], iteration_bounds = array<i64: 2, 16>, scalar_prefetch = 0 : i64, scratch_operands = 12 : i64, tpu.core_type = #tpu.core_type<sc_vector_subcore>, window_params = [{transform_indices = #map}, {transform_indices = #map1}]} {
    %mul3A = arith.constant 16 : i32
    %mul3A_0 = arith.muli %arg0, %mul3A : i32
    %add3A = arith.addi %mul3A_0, %arg1 : i32
    %mul3A_1 = arith.constant 10000 : i32
    %mul3A_2 = arith.muli %add3A, %mul3A_1 : i32
    %add3A_3 = arith.constant 0 : i32
    %add3A_4 = arith.addi %mul3A_2, %add3A_3 : i32
    %multiple_of3A = tpu.assume_multiple %add3A_4, 8 : i32
    %dma_start3A = tpu.memref_slice %arg2[%multiple_of3A] : memref<320000xi32, #tpu.memory_space<hbm>> -> memref<128xi32, #tpu.memory_space<hbm>>
    %dma_start3A_5 = tpu.memref_slice %arg2[%multiple_of3A] : memref<320000xi32, #tpu.memory_space<hbm>> -> memref<128xi32, #tpu.memory_space<hbm>>
    tpu.enqueue_dma source(%dma_start3A_5 : memref<128xi32, #tpu.memory_space<hbm>>) target(%arg4 : memref<128xi32, #tpu.memory_space<vmem>>) target_semaphore(%arg12 : memref<!tpu.dma_semaphore, #tpu.memory_space<semaphore_mem>>)
    %add3A_6 = arith.constant 128 : i32
    %add3A_7 = arith.addi %mul3A_2, %add3A_6 : i32
    %multiple_of3A_8 = tpu.assume_multiple %add3A_7, 8 : i32
    %dma_start3A_9 = tpu.memref_slice %arg2[%multiple_of3A_8] : memref<320000xi32, #tpu.memory_space<hbm>> -> memref<128xi32, #tpu.memory_space<hbm>>
    %dma_start3A_10 = tpu.memref_slice %arg2[%multiple_of3A_8] : memref<320000xi32, #tpu.memory_space<hbm>> -> memref<128xi32, #tpu.memory_space<hbm>>
    tpu.enqueue_dma source(%dma_start3A_10 : memref<128xi32, #tpu.memory_space<hbm>>) target(%arg5 : memref<128xi32, #tpu.memory_space<vmem>>) target_semaphore(%arg13 : memref<!tpu.dma_semaphore, #tpu.memory_space<semaphore_mem>>)
    %add3A_11 = arith.constant 256 : i32
    %add3A_12 = arith.addi %mul3A_2, %add3A_11 : i32
    %multiple_of3A_13 = tpu.assume_multiple %add3A_12, 8 : i32
    %dma_start3A_14 = tpu.memref_slice %arg2[%multiple_of3A_13] : memref<320000xi32, #tpu.memory_space<hbm>> -> memref<128xi32, #tpu.memory_space<hbm>>
    %dma_start3A_15 = tpu.memref_slice %arg2[%multiple_of3A_13] : memref<320000xi32, #tpu.memory_space<hbm>> -> memref<128xi32, #tpu.memory_space<hbm>>
    tpu.enqueue_dma source(%dma_start3A_15 : memref<128xi32, #tpu.memory_space<hbm>>) target(%arg6 : memref<128xi32, #tpu.memory_space<vmem>>) target_semaphore(%arg14 : memref<!tpu.dma_semaphore, #tpu.memory_space<semaphore_mem>>)
    %add3A_16 = arith.constant 384 : i32
    %add3A_17 = arith.addi %mul3A_2, %add3A_16 : i32
    %multiple_of3A_18 = tpu.assume_multiple %add3A_17, 8 : i32
    %dma_start3A_19 = tpu.memref_slice %arg2[%multiple_of3A_18] : memref<320000xi32, #tpu.memory_space<hbm>> -> memref<128xi32, #tpu.memory_space<hbm>>
    %dma_start3A_20 = tpu.memref_slice %arg2[%multiple_of3A_18] : memref<320000xi32, #tpu.memory_space<hbm>> -> memref<128xi32, #tpu.memory_space<hbm>>
    tpu.enqueue_dma source(%dma_start3A_20 : memref<128xi32, #tpu.memory_space<hbm>>) target(%arg7 : memref<128xi32, #tpu.memory_space<vmem>>) target_semaphore(%arg15 : memref<!tpu.dma_semaphore, #tpu.memory_space<semaphore_mem>>)
    %broadcast_in_dim3A = arith.constant 1.000000e+00 : f32
    %broadcast_in_dim3A_21 = vector.broadcast %broadcast_in_dim3A : f32 to vector<16xf32>
    %broadcast_in_dim3A_22 = arith.constant 0.000000e+00 : f32
    %broadcast_in_dim3A_23 = vector.broadcast %broadcast_in_dim3A_22 : f32 to vector<16xf32>
    %scan3A = arith.constant 0 : i32
    %scan3A_24 = arith.constant 128 : i32
    %scan3A_25 = arith.addi %scan3A, %scan3A_24 : i32
    %scan3A_26 = arith.constant 1 : i32
    scf.for %scan3A_67 = %scan3A to %scan3A_25 step %scan3A_26  : i32 {
      %swap3A = arith.index_cast %scan3A_67 : i32 to index
      %swap3A_68 = arith.constant 0 : index
      %swap3A_69 = tpu.vector_load %arg9[%swap3A, %swap3A_68] {strides = array<i32>} : memref<128x16xf32, #tpu.memory_space<vmem>>, vector<1x16xf32>,
      %swap3A_70 = vector.shape_cast %swap3A_69 : vector<1x16xf32> to vector<16xf32>
      %swap3A_71 = vector.shape_cast %broadcast_in_dim3A_21 : vector<16xf32> to vector<1x16xf32>
      tpu.vector_store %arg9[%swap3A, %swap3A_68], %swap3A_71 {strides = array<i32>} : memref<128x16xf32, #tpu.memory_space<vmem>>, vector<1x16xf32>,
    }
    %scan3A_27 = arith.constant 128 : i32
    %scan3A_28 = arith.constant 0 : i32
    %scan3A_29 = arith.constant 208 : i32
    %scan3A_30 = arith.addi %scan3A_28, %scan3A_29 : i32
    %scan3A_31 = arith.constant 1 : i32
    scf.for %scan3A_67 = %scan3A_28 to %scan3A_30 step %scan3A_31  : i32 {
      %swap3A = arith.index_cast %scan3A_67 : i32 to index
      %swap3A_68 = arith.constant 0 : index
      %swap3A_69 = tpu.vector_load %arg10[%swap3A, %swap3A_68] {strides = array<i32>} : memref<208x16xf32, #tpu.memory_space<vmem>>, vector<1x16xf32>,
      %swap3A_70 = vector.shape_cast %swap3A_69 : vector<1x16xf32> to vector<16xf32>
      %swap3A_71 = vector.shape_cast %broadcast_in_dim3A_23 : vector<16xf32> to vector<1x16xf32>
      tpu.vector_store %arg10[%swap3A, %swap3A_68], %swap3A_71 {strides = array<i32>} : memref<208x16xf32, #tpu.memory_space<vmem>>, vector<1x16xf32>,
    }
    %scan3A_32 = arith.constant 208 : i32
    %mul3A_33 = arith.constant 624 : i32
    %mul3A_34 = arith.muli %arg1, %mul3A_33 : i32
    %multiple_of3A_35 = tpu.assume_multiple %mul3A_34, 8 : i32
    %add3A_36 = arith.constant 0 : i32
    %add3A_37 = arith.addi %multiple_of3A_35, %add3A_36 : i32
    "tpu.region"() ({
      %run_scoped3A = tpu.sem_alloc : memref<!tpu.dma_semaphore, #tpu.memory_space<semaphore_mem>>
      %dma_start3A_67 = arith.constant 0 : i32
      %dma_start3A_68 = tpu.memref_slice %arg11[%add3A_37, %dma_start3A_67] : memref<10000x16xf32, #tpu.memory_space<vmem_shared>> -> memref<208x16xf32, #tpu.memory_space<vmem_shared>>
      %dma_start3A_69 = arith.constant 0 : i32
      %dma_start3A_70 = tpu.memref_slice %arg11[%add3A_37, %dma_start3A_69] : memref<10000x16xf32, #tpu.memory_space<vmem_shared>> -> memref<208x16xf32, #tpu.memory_space<vmem_shared>>
      tpu.enqueue_dma source(%arg10 : memref<208x16xf32, #tpu.memory_space<vmem>>) target(%dma_start3A_70 : memref<208x16xf32, #tpu.memory_space<vmem_shared>>) target_semaphore(%run_scoped3A : memref<!tpu.dma_semaphore, #tpu.memory_space<semaphore_mem>>)
      %dma_wait3A_71 = arith.constant 0 : i32
      %dma_wait3A_72 = tpu.memref_slice %arg11[%add3A_37, %dma_wait3A_71] : memref<10000x16xf32, #tpu.memory_space<vmem_shared>> -> memref<208x16xf32, #tpu.memory_space<vmem_shared>>
      %dma_wait3A_73 = arith.constant 0 : i32
      %dma_wait3A_74 = tpu.memref_slice %arg11[%add3A_37, %dma_wait3A_73] : memref<10000x16xf32, #tpu.memory_space<vmem_shared>> -> memref<208x16xf32, #tpu.memory_space<vmem_shared>>
      tpu.wait_dma2 semaphore(%run_scoped3A : memref<!tpu.dma_semaphore, #tpu.memory_space<semaphore_mem>>) src(%arg10 : memref<208x16xf32, #tpu.memory_space<vmem>>) dst(%dma_wait3A_74 : memref<208x16xf32, #tpu.memory_space<vmem_shared>>)
      tpu.yield
    }) : () -> ()
    %add3A_38 = arith.constant 208 : i32
    %add3A_39 = arith.addi %multiple_of3A_35, %add3A_38 : i32
    "tpu.region"() ({
      %run_scoped3A = tpu.sem_alloc : memref<!tpu.dma_semaphore, #tpu.memory_space<semaphore_mem>>
      %dma_start3A_67 = arith.constant 0 : i32
      %dma_start3A_68 = tpu.memref_slice %arg11[%add3A_39, %dma_start3A_67] : memref<10000x16xf32, #tpu.memory_space<vmem_shared>> -> memref<208x16xf32, #tpu.memory_space<vmem_shared>>
      %dma_start3A_69 = arith.constant 0 : i32
      %dma_start3A_70 = tpu.memref_slice %arg11[%add3A_39, %dma_start3A_69] : memref<10000x16xf32, #tpu.memory_space<vmem_shared>> -> memref<208x16xf32, #tpu.memory_space<vmem_shared>>
      tpu.enqueue_dma source(%arg10 : memref<208x16xf32, #tpu.memory_space<vmem>>) target(%dma_start3A_70 : memref<208x16xf32, #tpu.memory_space<vmem_shared>>) target_semaphore(%run_scoped3A : memref<!tpu.dma_semaphore, #tpu.memory_space<semaphore_mem>>)
      %dma_wait3A_71 = arith.constant 0 : i32
      %dma_wait3A_72 = tpu.memref_slice %arg11[%add3A_39, %dma_wait3A_71] : memref<10000x16xf32, #tpu.memory_space<vmem_shared>> -> memref<208x16xf32, #tpu.memory_space<vmem_shared>>
      %dma_wait3A_73 = arith.constant 0 : i32
      %dma_wait3A_74 = tpu.memref_slice %arg11[%add3A_39, %dma_wait3A_73] : memref<10000x16xf32, #tpu.memory_space<vmem_shared>> -> memref<208x16xf32, #tpu.memory_space<vmem_shared>>
      tpu.wait_dma2 semaphore(%run_scoped3A : memref<!tpu.dma_semaphore, #tpu.memory_space<semaphore_mem>>) src(%arg10 : memref<208x16xf32, #tpu.memory_space<vmem>>) dst(%dma_wait3A_74 : memref<208x16xf32, #tpu.memory_space<vmem_shared>>)
      tpu.yield
    }) : () -> ()
    %add3A_40 = arith.constant 416 : i32
    %add3A_41 = arith.addi %multiple_of3A_35, %add3A_40 : i32
    "tpu.region"() ({
      %run_scoped3A = tpu.sem_alloc : memref<!tpu.dma_semaphore, #tpu.memory_space<semaphore_mem>>
      %dma_start3A_67 = arith.constant 0 : i32
      %dma_start3A_68 = tpu.memref_slice %arg11[%add3A_41, %dma_start3A_67] : memref<10000x16xf32, #tpu.memory_space<vmem_shared>> -> memref<208x16xf32, #tpu.memory_space<vmem_shared>>
      %dma_start3A_69 = arith.constant 0 : i32
      %dma_start3A_70 = tpu.memref_slice %arg11[%add3A_41, %dma_start3A_69] : memref<10000x16xf32, #tpu.memory_space<vmem_shared>> -> memref<208x16xf32, #tpu.memory_space<vmem_shared>>
      tpu.enqueue_dma source(%arg10 : memref<208x16xf32, #tpu.memory_space<vmem>>) target(%dma_start3A_70 : memref<208x16xf32, #tpu.memory_space<vmem_shared>>) target_semaphore(%run_scoped3A : memref<!tpu.dma_semaphore, #tpu.memory_space<semaphore_mem>>)
      %dma_wait3A_71 = arith.constant 0 : i32
      %dma_wait3A_72 = tpu.memref_slice %arg11[%add3A_41, %dma_wait3A_71] : memref<10000x16xf32, #tpu.memory_space<vmem_shared>> -> memref<208x16xf32, #tpu.memory_space<vmem_shared>>
      %dma_wait3A_73 = arith.constant 0 : i32
      %dma_wait3A_74 = tpu.memref_slice %arg11[%add3A_41, %dma_wait3A_73] : memref<10000x16xf32, #tpu.memory_space<vmem_shared>> -> memref<208x16xf32, #tpu.memory_space<vmem_shared>>
      tpu.wait_dma2 semaphore(%run_scoped3A : memref<!tpu.dma_semaphore, #tpu.memory_space<semaphore_mem>>) src(%arg10 : memref<208x16xf32, #tpu.memory_space<vmem>>) dst(%dma_wait3A_74 : memref<208x16xf32, #tpu.memory_space<vmem_shared>>)
      tpu.yield
    }) : () -> ()
    %eq3A = arith.constant 15 : i32
    %eq3A_42 = arith.cmpi eq, %arg1, %eq3A : i32
    %convert_element_type3A = arith.extui %eq3A_42 : i1 to i32
    %cond3A = arith.constant 0 : i32
    %cond3A_43 = arith.cmpi ne, %convert_element_type3A, %cond3A : i32
    scf.if %cond3A_43 {
      "tpu.region"() ({
        %run_scoped3A = tpu.sem_alloc : memref<!tpu.dma_semaphore, #tpu.memory_space<semaphore_mem>>
        %dma_start3A_67 = arith.constant 0 : i32
        %dma_start3A_68 = arith.constant 0 : i32
        %dma_start3A_69 = tpu.memref_slice %arg10[%dma_start3A_67, %dma_start3A_68] : memref<208x16xf32, #tpu.memory_space<vmem>> -> memref<16x16xf32, #tpu.memory_space<vmem>>
        %dma_start3A_70 = arith.constant 9984 : i32
        %dma_start3A_71 = arith.constant 0 : i32
        %dma_start3A_72 = tpu.memref_slice %arg11[%dma_start3A_70, %dma_start3A_71] : memref<10000x16xf32, #tpu.memory_space<vmem_shared>> -> memref<16x16xf32, #tpu.memory_space<vmem_shared>>
        %dma_start3A_73 = arith.constant 9984 : i32
        %dma_start3A_74 = arith.constant 0 : i32
        %dma_start3A_75 = tpu.memref_slice %arg11[%dma_start3A_73, %dma_start3A_74] : memref<10000x16xf32, #tpu.memory_space<vmem_shared>> -> memref<16x16xf32, #tpu.memory_space<vmem_shared>>
        %dma_start3A_76 = arith.constant 0 : i32
        %dma_start3A_77 = arith.constant 0 : i32
        %dma_start3A_78 = tpu.memref_slice %arg10[%dma_start3A_76, %dma_start3A_77] : memref<208x16xf32, #tpu.memory_space<vmem>> -> memref<16x16xf32, #tpu.memory_space<vmem>>
        tpu.enqueue_dma source(%dma_start3A_78 : memref<16x16xf32, #tpu.memory_space<vmem>>) target(%dma_start3A_75 : memref<16x16xf32, #tpu.memory_space<vmem_shared>>) target_semaphore(%run_scoped3A : memref<!tpu.dma_semaphore, #tpu.memory_space<semaphore_mem>>)
        %dma_wait3A_79 = arith.constant 0 : i32
        %dma_wait3A_80 = arith.constant 0 : i32
        %dma_wait3A_81 = tpu.memref_slice %arg10[%dma_wait3A_79, %dma_wait3A_80] : memref<208x16xf32, #tpu.memory_space<vmem>> -> memref<16x16xf32, #tpu.memory_space<vmem>>
        %dma_wait3A_82 = arith.constant 9984 : i32
        %dma_wait3A_83 = arith.constant 0 : i32
        %dma_wait3A_84 = tpu.memref_slice %arg11[%dma_wait3A_82, %dma_wait3A_83] : memref<10000x16xf32, #tpu.memory_space<vmem_shared>> -> memref<16x16xf32, #tpu.memory_space<vmem_shared>>
        %dma_wait3A_85 = arith.constant 9984 : i32
        %dma_wait3A_86 = arith.constant 0 : i32
        %dma_wait3A_87 = tpu.memref_slice %arg11[%dma_wait3A_85, %dma_wait3A_86] : memref<10000x16xf32, #tpu.memory_space<vmem_shared>> -> memref<16x16xf32, #tpu.memory_space<vmem_shared>>
        %dma_wait3A_88 = arith.constant 0 : i32
        %dma_wait3A_89 = arith.constant 0 : i32
        %dma_wait3A_90 = tpu.memref_slice %arg10[%dma_wait3A_88, %dma_wait3A_89] : memref<208x16xf32, #tpu.memory_space<vmem>> -> memref<16x16xf32, #tpu.memory_space<vmem>>
        tpu.wait_dma2 semaphore(%run_scoped3A : memref<!tpu.dma_semaphore, #tpu.memory_space<semaphore_mem>>) src(%dma_wait3A_90 : memref<16x16xf32, #tpu.memory_space<vmem>>) dst(%dma_wait3A_87 : memref<16x16xf32, #tpu.memory_space<vmem_shared>>)
        tpu.yield
      }) : () -> ()
    } else {
    }
    %barrier3A = arith.constant 0 : index
    tpu.barrier barrier_id(%barrier3A)
    %scan3A_44 = arith.constant 0 : i32
    %scan3A_45 = arith.constant 19 : i32
    %scan3A_46 = arith.addi %scan3A_44, %scan3A_45 : i32
    %scan3A_47 = arith.constant 1 : i32
    scf.for %scan3A_67 = %scan3A_44 to %scan3A_46 step %scan3A_47  : i32 {
      %mul3A_68 = arith.constant 4 : i32
      %mul3A_69 = arith.muli %scan3A_67, %mul3A_68 : i32
      %add3A_70 = arith.constant 0 : i32
      %add3A_71 = arith.addi %mul3A_69, %add3A_70 : i32
      %mul3A_72 = arith.constant 128 : i32
      %mul3A_73 = arith.muli %add3A_71, %mul3A_72 : i32
      %add3A_74 = arith.addi %mul3A_2, %mul3A_73 : i32
      %multiple_of3A_75 = tpu.assume_multiple %add3A_74, 8 : i32
      %dma_wait3A_76 = tpu.memref_slice %arg2[%multiple_of3A_75] : memref<320000xi32, #tpu.memory_space<hbm>> -> memref<128xi32, #tpu.memory_space<hbm>>
      %dma_wait3A_77 = tpu.memref_slice %arg2[%multiple_of3A_75] : memref<320000xi32, #tpu.memory_space<hbm>> -> memref<128xi32, #tpu.memory_space<hbm>>
      tpu.wait_dma2 semaphore(%arg12 : memref<!tpu.dma_semaphore, #tpu.memory_space<semaphore_mem>>) src(%dma_wait3A_77 : memref<128xi32, #tpu.memory_space<hbm>>) dst(%arg4 : memref<128xi32, #tpu.memory_space<vmem>>)
      "tpu.region"() ({
        %run_scoped3A = tpu.sem_alloc : memref<!tpu.dma_semaphore, #tpu.memory_space<semaphore_mem>>
        %dma_start3A_129 = arith.constant 0 : i32
        %dma_start3A_130 = arith.constant 0 : i32
        %dma_start3A_131 = tpu.memref_slice %arg11[%dma_start3A_129, %dma_start3A_130] : memref<10000x16xf32, #tpu.memory_space<vmem_shared>> -> memref<10000x16xf32, #tpu.memory_space<vmem_shared>>
        tpu.enqueue_indirect_dma source(%arg9 : memref<128x16xf32, #tpu.memory_space<vmem>>) target(%dma_start3A_131 : memref<10000x16xf32, #tpu.memory_space<vmem_shared>>) offsets(%arg4 : memref<128xi32, #tpu.memory_space<vmem>>) semaphore(%run_scoped3A : memref<!tpu.dma_semaphore, #tpu.memory_space<semaphore_mem>>) {add = true}
        %dma_wait3A_132 = arith.constant 0 : i32
        %dma_wait3A_133 = arith.constant 0 : i32
        %dma_wait3A_134 = tpu.memref_slice %arg11[%dma_wait3A_132, %dma_wait3A_133] : memref<10000x16xf32, #tpu.memory_space<vmem_shared>> -> memref<10000x16xf32, #tpu.memory_space<vmem_shared>>
        tpu.wait_indirect_dma semaphore(%run_scoped3A : memref<!tpu.dma_semaphore, #tpu.memory_space<semaphore_mem>>) src(%arg9 : memref<128x16xf32, #tpu.memory_space<vmem>>) dst(%dma_wait3A_134 : memref<10000x16xf32, #tpu.memory_space<vmem_shared>>)
        tpu.yield
      }) : () -> ()
      %add3A_78 = arith.constant 4 : i32
      %add3A_79 = arith.addi %add3A_71, %add3A_78 : i32
      %lt3A = arith.constant 78 : i32
      %lt3A_80 = arith.cmpi slt, %add3A_79, %lt3A : i32
      %convert_element_type3A_81 = arith.extui %lt3A_80 : i1 to i32
      %cond3A_82 = arith.constant 0 : i32
      %cond3A_83 = arith.cmpi ne, %convert_element_type3A_81, %cond3A_82 : i32
      scf.if %cond3A_83 {
        %add3A_129 = arith.constant 4 : i32
        %add3A_130 = arith.addi %add3A_71, %add3A_129 : i32
        %mul3A_131 = arith.constant 128 : i32
        %mul3A_132 = arith.muli %add3A_130, %mul3A_131 : i32
        %add3A_133 = arith.addi %mul3A_2, %mul3A_132 : i32
        %multiple_of3A_134 = tpu.assume_multiple %add3A_133, 8 : i32
        %dma_start3A_135 = tpu.memref_slice %arg2[%multiple_of3A_134] : memref<320000xi32, #tpu.memory_space<hbm>> -> memref<128xi32, #tpu.memory_space<hbm>>
        %dma_start3A_136 = tpu.memref_slice %arg2[%multiple_of3A_134] : memref<320000xi32, #tpu.memory_space<hbm>> -> memref<128xi32, #tpu.memory_space<hbm>>
        tpu.enqueue_dma source(%dma_start3A_136 : memref<128xi32, #tpu.memory_space<hbm>>) target(%arg4 : memref<128xi32, #tpu.memory_space<vmem>>) target_semaphore(%arg12 : memref<!tpu.dma_semaphore, #tpu.memory_space<semaphore_mem>>)
      } else {
      }
      %add3A_84 = arith.constant 1 : i32
      %add3A_85 = arith.addi %mul3A_69, %add3A_84 : i32
      %mul3A_86 = arith.constant 128 : i32
      %mul3A_87 = arith.muli %add3A_85, %mul3A_86 : i32
      %add3A_88 = arith.addi %mul3A_2, %mul3A_87 : i32
      %multiple_of3A_89 = tpu.assume_multiple %add3A_88, 8 : i32
      %dma_wait3A_90 = tpu.memref_slice %arg2[%multiple_of3A_89] : memref<320000xi32, #tpu.memory_space<hbm>> -> memref<128xi32, #tpu.memory_space<hbm>>
      %dma_wait3A_91 = tpu.memref_slice %arg2[%multiple_of3A_89] : memref<320000xi32, #tpu.memory_space<hbm>> -> memref<128xi32, #tpu.memory_space<hbm>>
      tpu.wait_dma2 semaphore(%arg13 : memref<!tpu.dma_semaphore, #tpu.memory_space<semaphore_mem>>) src(%dma_wait3A_91 : memref<128xi32, #tpu.memory_space<hbm>>) dst(%arg5 : memref<128xi32, #tpu.memory_space<vmem>>)
      "tpu.region"() ({
        %run_scoped3A = tpu.sem_alloc : memref<!tpu.dma_semaphore, #tpu.memory_space<semaphore_mem>>
        %dma_start3A_129 = arith.constant 0 : i32
        %dma_start3A_130 = arith.constant 0 : i32
        %dma_start3A_131 = tpu.memref_slice %arg11[%dma_start3A_129, %dma_start3A_130] : memref<10000x16xf32, #tpu.memory_space<vmem_shared>> -> memref<10000x16xf32, #tpu.memory_space<vmem_shared>>
        tpu.enqueue_indirect_dma source(%arg9 : memref<128x16xf32, #tpu.memory_space<vmem>>) target(%dma_start3A_131 : memref<10000x16xf32, #tpu.memory_space<vmem_shared>>) offsets(%arg5 : memref<128xi32, #tpu.memory_space<vmem>>) semaphore(%run_scoped3A : memref<!tpu.dma_semaphore, #tpu.memory_space<semaphore_mem>>) {add = true}
        %dma_wait3A_132 = arith.constant 0 : i32
        %dma_wait3A_133 = arith.constant 0 : i32
        %dma_wait3A_134 = tpu.memref_slice %arg11[%dma_wait3A_132, %dma_wait3A_133] : memref<10000x16xf32, #tpu.memory_space<vmem_shared>> -> memref<10000x16xf32, #tpu.memory_space<vmem_shared>>
        tpu.wait_indirect_dma semaphore(%run_scoped3A : memref<!tpu.dma_semaphore, #tpu.memory_space<semaphore_mem>>) src(%arg9 : memref<128x16xf32, #tpu.memory_space<vmem>>) dst(%dma_wait3A_134 : memref<10000x16xf32, #tpu.memory_space<vmem_shared>>)
        tpu.yield
      }) : () -> ()
      %add3A_92 = arith.constant 4 : i32
      %add3A_93 = arith.addi %add3A_85, %add3A_92 : i32
      %lt3A_94 = arith.constant 78 : i32
      %lt3A_95 = arith.cmpi slt, %add3A_93, %lt3A_94 : i32
      %convert_element_type3A_96 = arith.extui %lt3A_95 : i1 to i32
      %cond3A_97 = arith.constant 0 : i32
      %cond3A_98 = arith.cmpi ne, %convert_element_type3A_96, %cond3A_97 : i32
      scf.if %cond3A_98 {
        %add3A_129 = arith.constant 4 : i32
        %add3A_130 = arith.addi %add3A_85, %add3A_129 : i32
        %mul3A_131 = arith.constant 128 : i32
        %mul3A_132 = arith.muli %add3A_130, %mul3A_131 : i32
        %add3A_133 = arith.addi %mul3A_2, %mul3A_132 : i32
        %multiple_of3A_134 = tpu.assume_multiple %add3A_133, 8 : i32
        %dma_start3A_135 = tpu.memref_slice %arg2[%multiple_of3A_134] : memref<320000xi32, #tpu.memory_space<hbm>> -> memref<128xi32, #tpu.memory_space<hbm>>
        %dma_start3A_136 = tpu.memref_slice %arg2[%multiple_of3A_134] : memref<320000xi32, #tpu.memory_space<hbm>> -> memref<128xi32, #tpu.memory_space<hbm>>
        tpu.enqueue_dma source(%dma_start3A_136 : memref<128xi32, #tpu.memory_space<hbm>>) target(%arg5 : memref<128xi32, #tpu.memory_space<vmem>>) target_semaphore(%arg13 : memref<!tpu.dma_semaphore, #tpu.memory_space<semaphore_mem>>)
      } else {
      }
      %add3A_99 = arith.constant 2 : i32
      %add3A_100 = arith.addi %mul3A_69, %add3A_99 : i32
      %mul3A_101 = arith.constant 128 : i32
      %mul3A_102 = arith.muli %add3A_100, %mul3A_101 : i32
      %add3A_103 = arith.addi %mul3A_2, %mul3A_102 : i32
      %multiple_of3A_104 = tpu.assume_multiple %add3A_103, 8 : i32
      %dma_wait3A_105 = tpu.memref_slice %arg2[%multiple_of3A_104] : memref<320000xi32, #tpu.memory_space<hbm>> -> memref<128xi32, #tpu.memory_space<hbm>>
      %dma_wait3A_106 = tpu.memref_slice %arg2[%multiple_of3A_104] : memref<320000xi32, #tpu.memory_space<hbm>> -> memref<128xi32, #tpu.memory_space<hbm>>
      tpu.wait_dma2 semaphore(%arg14 : memref<!tpu.dma_semaphore, #tpu.memory_space<semaphore_mem>>) src(%dma_wait3A_106 : memref<128xi32, #tpu.memory_space<hbm>>) dst(%arg6 : memref<128xi32, #tpu.memory_space<vmem>>)
      "tpu.region"() ({
        %run_scoped3A = tpu.sem_alloc : memref<!tpu.dma_semaphore, #tpu.memory_space<semaphore_mem>>
        %dma_start3A_129 = arith.constant 0 : i32
        %dma_start3A_130 = arith.constant 0 : i32
        %dma_start3A_131 = tpu.memref_slice %arg11[%dma_start3A_129, %dma_start3A_130] : memref<10000x16xf32, #tpu.memory_space<vmem_shared>> -> memref<10000x16xf32, #tpu.memory_space<vmem_shared>>
        tpu.enqueue_indirect_dma source(%arg9 : memref<128x16xf32, #tpu.memory_space<vmem>>) target(%dma_start3A_131 : memref<10000x16xf32, #tpu.memory_space<vmem_shared>>) offsets(%arg6 : memref<128xi32, #tpu.memory_space<vmem>>) semaphore(%run_scoped3A : memref<!tpu.dma_semaphore, #tpu.memory_space<semaphore_mem>>) {add = true}
        %dma_wait3A_132 = arith.constant 0 : i32
        %dma_wait3A_133 = arith.constant 0 : i32
        %dma_wait3A_134 = tpu.memref_slice %arg11[%dma_wait3A_132, %dma_wait3A_133] : memref<10000x16xf32, #tpu.memory_space<vmem_shared>> -> memref<10000x16xf32, #tpu.memory_space<vmem_shared>>
        tpu.wait_indirect_dma semaphore(%run_scoped3A : memref<!tpu.dma_semaphore, #tpu.memory_space<semaphore_mem>>) src(%arg9 : memref<128x16xf32, #tpu.memory_space<vmem>>) dst(%dma_wait3A_134 : memref<10000x16xf32, #tpu.memory_space<vmem_shared>>)
        tpu.yield
      }) : () -> ()
      %add3A_107 = arith.constant 4 : i32
      %add3A_108 = arith.addi %add3A_100, %add3A_107 : i32
      %lt3A_109 = arith.constant 78 : i32
      %lt3A_110 = arith.cmpi slt, %add3A_108, %lt3A_109 : i32
      %convert_element_type3A_111 = arith.extui %lt3A_110 : i1 to i32
      %cond3A_112 = arith.constant 0 : i32
      %cond3A_113 = arith.cmpi ne, %convert_element_type3A_111, %cond3A_112 : i32
      scf.if %cond3A_113 {
        %add3A_129 = arith.constant 4 : i32
        %add3A_130 = arith.addi %add3A_100, %add3A_129 : i32
        %mul3A_131 = arith.constant 128 : i32
        %mul3A_132 = arith.muli %add3A_130, %mul3A_131 : i32
        %add3A_133 = arith.addi %mul3A_2, %mul3A_132 : i32
        %multiple_of3A_134 = tpu.assume_multiple %add3A_133, 8 : i32
        %dma_start3A_135 = tpu.memref_slice %arg2[%multiple_of3A_134] : memref<320000xi32, #tpu.memory_space<hbm>> -> memref<128xi32, #tpu.memory_space<hbm>>
        %dma_start3A_136 = tpu.memref_slice %arg2[%multiple_of3A_134] : memref<320000xi32, #tpu.memory_space<hbm>> -> memref<128xi32, #tpu.memory_space<hbm>>
        tpu.enqueue_dma source(%dma_start3A_136 : memref<128xi32, #tpu.memory_space<hbm>>) target(%arg6 : memref<128xi32, #tpu.memory_space<vmem>>) target_semaphore(%arg14 : memref<!tpu.dma_semaphore, #tpu.memory_space<semaphore_mem>>)
      } else {
      }
      %add3A_114 = arith.constant 3 : i32
      %add3A_115 = arith.addi %mul3A_69, %add3A_114 : i32
      %mul3A_116 = arith.constant 128 : i32
      %mul3A_117 = arith.muli %add3A_115, %mul3A_116 : i32
      %add3A_118 = arith.addi %mul3A_2, %mul3A_117 : i32
      %multiple_of3A_119 = tpu.assume_multiple %add3A_118, 8 : i32
      %dma_wait3A_120 = tpu.memref_slice %arg2[%multiple_of3A_119] : memref<320000xi32, #tpu.memory_space<hbm>> -> memref<128xi32, #tpu.memory_space<hbm>>
      %dma_wait3A_121 = tpu.memref_slice %arg2[%multiple_of3A_119] : memref<320000xi32, #tpu.memory_space<hbm>> -> memref<128xi32, #tpu.memory_space<hbm>>
      tpu.wait_dma2 semaphore(%arg15 : memref<!tpu.dma_semaphore, #tpu.memory_space<semaphore_mem>>) src(%dma_wait3A_121 : memref<128xi32, #tpu.memory_space<hbm>>) dst(%arg7 : memref<128xi32, #tpu.memory_space<vmem>>)
      "tpu.region"() ({
        %run_scoped3A = tpu.sem_alloc : memref<!tpu.dma_semaphore, #tpu.memory_space<semaphore_mem>>
        %dma_start3A_129 = arith.constant 0 : i32
        %dma_start3A_130 = arith.constant 0 : i32
        %dma_start3A_131 = tpu.memref_slice %arg11[%dma_start3A_129, %dma_start3A_130] : memref<10000x16xf32, #tpu.memory_space<vmem_shared>> -> memref<10000x16xf32, #tpu.memory_space<vmem_shared>>
        tpu.enqueue_indirect_dma source(%arg9 : memref<128x16xf32, #tpu.memory_space<vmem>>) target(%dma_start3A_131 : memref<10000x16xf32, #tpu.memory_space<vmem_shared>>) offsets(%arg7 : memref<128xi32, #tpu.memory_space<vmem>>) semaphore(%run_scoped3A : memref<!tpu.dma_semaphore, #tpu.memory_space<semaphore_mem>>) {add = true}
        %dma_wait3A_132 = arith.constant 0 : i32
        %dma_wait3A_133 = arith.constant 0 : i32
        %dma_wait3A_134 = tpu.memref_slice %arg11[%dma_wait3A_132, %dma_wait3A_133] : memref<10000x16xf32, #tpu.memory_space<vmem_shared>> -> memref<10000x16xf32, #tpu.memory_space<vmem_shared>>
        tpu.wait_indirect_dma semaphore(%run_scoped3A : memref<!tpu.dma_semaphore, #tpu.memory_space<semaphore_mem>>) src(%arg9 : memref<128x16xf32, #tpu.memory_space<vmem>>) dst(%dma_wait3A_134 : memref<10000x16xf32, #tpu.memory_space<vmem_shared>>)
        tpu.yield
      }) : () -> ()
      %add3A_122 = arith.constant 4 : i32
      %add3A_123 = arith.addi %add3A_115, %add3A_122 : i32
      %lt3A_124 = arith.constant 78 : i32
      %lt3A_125 = arith.cmpi slt, %add3A_123, %lt3A_124 : i32
      %convert_element_type3A_126 = arith.extui %lt3A_125 : i1 to i32
      %cond3A_127 = arith.constant 0 : i32
      %cond3A_128 = arith.cmpi ne, %convert_element_type3A_126, %cond3A_127 : i32
      scf.if %cond3A_128 {
        %add3A_129 = arith.constant 4 : i32
        %add3A_130 = arith.addi %add3A_115, %add3A_129 : i32
        %mul3A_131 = arith.constant 128 : i32
        %mul3A_132 = arith.muli %add3A_130, %mul3A_131 : i32
        %add3A_133 = arith.addi %mul3A_2, %mul3A_132 : i32
        %multiple_of3A_134 = tpu.assume_multiple %add3A_133, 8 : i32
        %dma_start3A_135 = tpu.memref_slice %arg2[%multiple_of3A_134] : memref<320000xi32, #tpu.memory_space<hbm>> -> memref<128xi32, #tpu.memory_space<hbm>>
        %dma_start3A_136 = tpu.memref_slice %arg2[%multiple_of3A_134] : memref<320000xi32, #tpu.memory_space<hbm>> -> memref<128xi32, #tpu.memory_space<hbm>>
        tpu.enqueue_dma source(%dma_start3A_136 : memref<128xi32, #tpu.memory_space<hbm>>) target(%arg7 : memref<128xi32, #tpu.memory_space<vmem>>) target_semaphore(%arg15 : memref<!tpu.dma_semaphore, #tpu.memory_space<semaphore_mem>>)
      } else {
      }
    }
    %scan3A_48 = arith.constant 19 : i32
    %add3A_49 = arith.constant 9728 : i32
    %add3A_50 = arith.addi %mul3A_2, %add3A_49 : i32
    %multiple_of3A_51 = tpu.assume_multiple %add3A_50, 8 : i32
    %dma_wait3A = tpu.memref_slice %arg2[%multiple_of3A_51] : memref<320000xi32, #tpu.memory_space<hbm>> -> memref<128xi32, #tpu.memory_space<hbm>>
    %dma_wait3A_52 = tpu.memref_slice %arg2[%multiple_of3A_51] : memref<320000xi32, #tpu.memory_space<hbm>> -> memref<128xi32, #tpu.memory_space<hbm>>
    tpu.wait_dma2 semaphore(%arg12 : memref<!tpu.dma_semaphore, #tpu.memory_space<semaphore_mem>>) src(%dma_wait3A_52 : memref<128xi32, #tpu.memory_space<hbm>>) dst(%arg4 : memref<128xi32, #tpu.memory_space<vmem>>)
    "tpu.region"() ({
      %run_scoped3A = tpu.sem_alloc : memref<!tpu.dma_semaphore, #tpu.memory_space<semaphore_mem>>
      %dma_start3A_67 = arith.constant 0 : i32
      %dma_start3A_68 = arith.constant 0 : i32
      %dma_start3A_69 = tpu.memref_slice %arg11[%dma_start3A_67, %dma_start3A_68] : memref<10000x16xf32, #tpu.memory_space<vmem_shared>> -> memref<10000x16xf32, #tpu.memory_space<vmem_shared>>
      tpu.enqueue_indirect_dma source(%arg9 : memref<128x16xf32, #tpu.memory_space<vmem>>) target(%dma_start3A_69 : memref<10000x16xf32, #tpu.memory_space<vmem_shared>>) offsets(%arg4 : memref<128xi32, #tpu.memory_space<vmem>>) semaphore(%run_scoped3A : memref<!tpu.dma_semaphore, #tpu.memory_space<semaphore_mem>>) {add = true}
      %dma_wait3A_70 = arith.constant 0 : i32
      %dma_wait3A_71 = arith.constant 0 : i32
      %dma_wait3A_72 = tpu.memref_slice %arg11[%dma_wait3A_70, %dma_wait3A_71] : memref<10000x16xf32, #tpu.memory_space<vmem_shared>> -> memref<10000x16xf32, #tpu.memory_space<vmem_shared>>
      tpu.wait_indirect_dma semaphore(%run_scoped3A : memref<!tpu.dma_semaphore, #tpu.memory_space<semaphore_mem>>) src(%arg9 : memref<128x16xf32, #tpu.memory_space<vmem>>) dst(%dma_wait3A_72 : memref<10000x16xf32, #tpu.memory_space<vmem_shared>>)
      tpu.yield
    }) : () -> ()
    %add3A_53 = arith.constant 9856 : i32
    %add3A_54 = arith.addi %mul3A_2, %add3A_53 : i32
    %multiple_of3A_55 = tpu.assume_multiple %add3A_54, 8 : i32
    %dma_wait3A_56 = tpu.memref_slice %arg2[%multiple_of3A_55] : memref<320000xi32, #tpu.memory_space<hbm>> -> memref<128xi32, #tpu.memory_space<hbm>>
    %dma_wait3A_57 = tpu.memref_slice %arg2[%multiple_of3A_55] : memref<320000xi32, #tpu.memory_space<hbm>> -> memref<128xi32, #tpu.memory_space<hbm>>
    tpu.wait_dma2 semaphore(%arg13 : memref<!tpu.dma_semaphore, #tpu.memory_space<semaphore_mem>>) src(%dma_wait3A_57 : memref<128xi32, #tpu.memory_space<hbm>>) dst(%arg5 : memref<128xi32, #tpu.memory_space<vmem>>)
    "tpu.region"() ({
      %run_scoped3A = tpu.sem_alloc : memref<!tpu.dma_semaphore, #tpu.memory_space<semaphore_mem>>
      %dma_start3A_67 = arith.constant 0 : i32
      %dma_start3A_68 = arith.constant 0 : i32
      %dma_start3A_69 = tpu.memref_slice %arg11[%dma_start3A_67, %dma_start3A_68] : memref<10000x16xf32, #tpu.memory_space<vmem_shared>> -> memref<10000x16xf32, #tpu.memory_space<vmem_shared>>
      tpu.enqueue_indirect_dma source(%arg9 : memref<128x16xf32, #tpu.memory_space<vmem>>) target(%dma_start3A_69 : memref<10000x16xf32, #tpu.memory_space<vmem_shared>>) offsets(%arg5 : memref<128xi32, #tpu.memory_space<vmem>>) semaphore(%run_scoped3A : memref<!tpu.dma_semaphore, #tpu.memory_space<semaphore_mem>>) {add = true}
      %dma_wait3A_70 = arith.constant 0 : i32
      %dma_wait3A_71 = arith.constant 0 : i32
      %dma_wait3A_72 = tpu.memref_slice %arg11[%dma_wait3A_70, %dma_wait3A_71] : memref<10000x16xf32, #tpu.memory_space<vmem_shared>> -> memref<10000x16xf32, #tpu.memory_space<vmem_shared>>
      tpu.wait_indirect_dma semaphore(%run_scoped3A : memref<!tpu.dma_semaphore, #tpu.memory_space<semaphore_mem>>) src(%arg9 : memref<128x16xf32, #tpu.memory_space<vmem>>) dst(%dma_wait3A_72 : memref<10000x16xf32, #tpu.memory_space<vmem_shared>>)
      tpu.yield
    }) : () -> ()
    %add3A_58 = arith.constant 9984 : i32
    %add3A_59 = arith.addi %mul3A_2, %add3A_58 : i32
    %multiple_of3A_60 = tpu.assume_multiple %add3A_59, 8 : i32
    "tpu.region"() ({
      %run_scoped3A = tpu.sem_alloc : memref<!tpu.dma_semaphore, #tpu.memory_space<semaphore_mem>>
      %dma_start3A_67 = tpu.memref_slice %arg2[%multiple_of3A_60] : memref<320000xi32, #tpu.memory_space<hbm>> -> memref<16xi32, #tpu.memory_space<hbm>>
      %dma_start3A_68 = tpu.memref_slice %arg2[%multiple_of3A_60] : memref<320000xi32, #tpu.memory_space<hbm>> -> memref<16xi32, #tpu.memory_space<hbm>>
      tpu.enqueue_dma source(%dma_start3A_68 : memref<16xi32, #tpu.memory_space<hbm>>) target(%arg8 : memref<16xi32, #tpu.memory_space<vmem>>) target_semaphore(%run_scoped3A : memref<!tpu.dma_semaphore, #tpu.memory_space<semaphore_mem>>)
      %dma_wait3A_69 = tpu.memref_slice %arg2[%multiple_of3A_60] : memref<320000xi32, #tpu.memory_space<hbm>> -> memref<16xi32, #tpu.memory_space<hbm>>
      %dma_wait3A_70 = tpu.memref_slice %arg2[%multiple_of3A_60] : memref<320000xi32, #tpu.memory_space<hbm>> -> memref<16xi32, #tpu.memory_space<hbm>>
      tpu.wait_dma2 semaphore(%run_scoped3A : memref<!tpu.dma_semaphore, #tpu.memory_space<semaphore_mem>>) src(%dma_wait3A_70 : memref<16xi32, #tpu.memory_space<hbm>>) dst(%arg8 : memref<16xi32, #tpu.memory_space<vmem>>)
      tpu.yield
    }) : () -> ()
    "tpu.region"() ({
      %run_scoped3A = tpu.sem_alloc : memref<!tpu.dma_semaphore, #tpu.memory_space<semaphore_mem>>
      %dma_start3A_67 = arith.constant 0 : i32
      %dma_start3A_68 = arith.constant 0 : i32
      %dma_start3A_69 = tpu.memref_slice %arg9[%dma_start3A_67, %dma_start3A_68] : memref<128x16xf32, #tpu.memory_space<vmem>> -> memref<16x16xf32, #tpu.memory_space<vmem>>
      %dma_start3A_70 = arith.constant 0 : i32
      %dma_start3A_71 = arith.constant 0 : i32
      %dma_start3A_72 = tpu.memref_slice %arg11[%dma_start3A_70, %dma_start3A_71] : memref<10000x16xf32, #tpu.memory_space<vmem_shared>> -> memref<10000x16xf32, #tpu.memory_space<vmem_shared>>
      tpu.enqueue_indirect_dma source(%dma_start3A_69 : memref<16x16xf32, #tpu.memory_space<vmem>>) target(%dma_start3A_72 : memref<10000x16xf32, #tpu.memory_space<vmem_shared>>) offsets(%arg8 : memref<16xi32, #tpu.memory_space<vmem>>) semaphore(%run_scoped3A : memref<!tpu.dma_semaphore, #tpu.memory_space<semaphore_mem>>) {add = true}
      %dma_wait3A_73 = arith.constant 0 : i32
      %dma_wait3A_74 = arith.constant 0 : i32
      %dma_wait3A_75 = tpu.memref_slice %arg9[%dma_wait3A_73, %dma_wait3A_74] : memref<128x16xf32, #tpu.memory_space<vmem>> -> memref<16x16xf32, #tpu.memory_space<vmem>>
      %dma_wait3A_76 = arith.constant 0 : i32
      %dma_wait3A_77 = arith.constant 0 : i32
      %dma_wait3A_78 = tpu.memref_slice %arg11[%dma_wait3A_76, %dma_wait3A_77] : memref<10000x16xf32, #tpu.memory_space<vmem_shared>> -> memref<10000x16xf32, #tpu.memory_space<vmem_shared>>
      tpu.wait_indirect_dma semaphore(%run_scoped3A : memref<!tpu.dma_semaphore, #tpu.memory_space<semaphore_mem>>) src(%dma_wait3A_75 : memref<16x16xf32, #tpu.memory_space<vmem>>) dst(%dma_wait3A_78 : memref<10000x16xf32, #tpu.memory_space<vmem_shared>>)
      tpu.yield
    }) : () -> ()
    %barrier3A_61 = arith.constant 0 : index
    tpu.barrier barrier_id(%barrier3A_61)
    "tpu.region"() ({
      %run_scoped3A = tpu.sem_alloc : memref<!tpu.dma_semaphore, #tpu.memory_space<semaphore_mem>>
      %dma_start3A_67 = arith.constant 0 : i32
      %dma_start3A_68 = tpu.memref_slice %arg3[%arg0, %multiple_of3A_35, %dma_start3A_67] : memref<2x10000x16xf32, #tpu.memory_space<hbm>> -> memref<1x624x16xf32, #tpu.memory_space<hbm>>
      %dma_start3A_69 = tpu.memref_squeeze %dma_start3A_68 : memref<1x624x16xf32, #tpu.memory_space<hbm>> -> memref<624x16xf32, #tpu.memory_space<hbm>>
      %dma_start3A_70 = arith.constant 0 : i32
      %dma_start3A_71 = tpu.memref_slice %arg11[%multiple_of3A_35, %dma_start3A_70] : memref<10000x16xf32, #tpu.memory_space<vmem_shared>> -> memref<624x16xf32, #tpu.memory_space<vmem_shared>>
      tpu.enqueue_dma source(%dma_start3A_71 : memref<624x16xf32, #tpu.memory_space<vmem_shared>>) target(%dma_start3A_69 : memref<624x16xf32, #tpu.memory_space<hbm>>) target_semaphore(%run_scoped3A : memref<!tpu.dma_semaphore, #tpu.memory_space<semaphore_mem>>)
      %dma_wait3A_72 = arith.constant 0 : i32
      %dma_wait3A_73 = tpu.memref_slice %arg3[%arg0, %multiple_of3A_35, %dma_wait3A_72] : memref<2x10000x16xf32, #tpu.memory_space<hbm>> -> memref<1x624x16xf32, #tpu.memory_space<hbm>>
      %dma_wait3A_74 = tpu.memref_squeeze %dma_wait3A_73 : memref<1x624x16xf32, #tpu.memory_space<hbm>> -> memref<624x16xf32, #tpu.memory_space<hbm>>
      %dma_wait3A_75 = arith.constant 0 : i32
      %dma_wait3A_76 = tpu.memref_slice %arg11[%multiple_of3A_35, %dma_wait3A_75] : memref<10000x16xf32, #tpu.memory_space<vmem_shared>> -> memref<624x16xf32, #tpu.memory_space<vmem_shared>>
      tpu.wait_dma2 semaphore(%run_scoped3A : memref<!tpu.dma_semaphore, #tpu.memory_space<semaphore_mem>>) src(%dma_wait3A_76 : memref<624x16xf32, #tpu.memory_space<vmem_shared>>) dst(%dma_wait3A_74 : memref<624x16xf32, #tpu.memory_space<hbm>>)
      tpu.yield
    }) : () -> ()
    %eq3A_62 = arith.constant 15 : i32
    %eq3A_63 = arith.cmpi eq, %arg1, %eq3A_62 : i32
    %convert_element_type3A_64 = arith.extui %eq3A_63 : i1 to i32
    %cond3A_65 = arith.constant 0 : i32
    %cond3A_66 = arith.cmpi ne, %convert_element_type3A_64, %cond3A_65 : i32
    scf.if %cond3A_66 {
      "tpu.region"() ({
        %run_scoped3A = tpu.sem_alloc : memref<!tpu.dma_semaphore, #tpu.memory_space<semaphore_mem>>
        %dma_start3A_67 = arith.constant 9984 : i32
        %dma_start3A_68 = arith.constant 0 : i32
        %dma_start3A_69 = tpu.memref_slice %arg3[%arg0, %dma_start3A_67, %dma_start3A_68] : memref<2x10000x16xf32, #tpu.memory_space<hbm>> -> memref<1x16x16xf32, #tpu.memory_space<hbm>>
        %dma_start3A_70 = tpu.memref_squeeze %dma_start3A_69 : memref<1x16x16xf32, #tpu.memory_space<hbm>> -> memref<16x16xf32, #tpu.memory_space<hbm>>
        %dma_start3A_71 = arith.constant 9984 : i32
        %dma_start3A_72 = arith.constant 0 : i32
        %dma_start3A_73 = tpu.memref_slice %arg11[%dma_start3A_71, %dma_start3A_72] : memref<10000x16xf32, #tpu.memory_space<vmem_shared>> -> memref<16x16xf32, #tpu.memory_space<vmem_shared>>
        tpu.enqueue_dma source(%dma_start3A_73 : memref<16x16xf32, #tpu.memory_space<vmem_shared>>) target(%dma_start3A_70 : memref<16x16xf32, #tpu.memory_space<hbm>>) target_semaphore(%run_scoped3A : memref<!tpu.dma_semaphore, #tpu.memory_space<semaphore_mem>>)
        %dma_wait3A_74 = arith.constant 9984 : i32
        %dma_wait3A_75 = arith.constant 0 : i32
        %dma_wait3A_76 = tpu.memref_slice %arg3[%arg0, %dma_wait3A_74, %dma_wait3A_75] : memref<2x10000x16xf32, #tpu.memory_space<hbm>> -> memref<1x16x16xf32, #tpu.memory_space<hbm>>
        %dma_wait3A_77 = tpu.memref_squeeze %dma_wait3A_76 : memref<1x16x16xf32, #tpu.memory_space<hbm>> -> memref<16x16xf32, #tpu.memory_space<hbm>>
        %dma_wait3A_78 = arith.constant 9984 : i32
        %dma_wait3A_79 = arith.constant 0 : i32
        %dma_wait3A_80 = tpu.memref_slice %arg11[%dma_wait3A_78, %dma_wait3A_79] : memref<10000x16xf32, #tpu.memory_space<vmem_shared>> -> memref<16x16xf32, #tpu.memory_space<vmem_shared>>
        tpu.wait_dma2 semaphore(%run_scoped3A : memref<!tpu.dma_semaphore, #tpu.memory_space<semaphore_mem>>) src(%dma_wait3A_80 : memref<16x16xf32, #tpu.memory_space<vmem_shared>>) dst(%dma_wait3A_77 : memref<16x16xf32, #tpu.memory_space<hbm>>)
        tpu.yield
      }) : () -> ()
    } else {
    }
    return
  }
}

#map = affine_map<(d0, d1) -> (0)>
#map1 = affine_map<(d0, d1) -> (0, 0)>
#map2 = affine_map<(d0, d1) -> (0, 0, 0)>
module attributes {stable_mosaic.version = 14 : i64} {
  func.func @_agg_kernel(%arg0: i32, %arg1: i32, %arg2: memref<320000xi32, #tpu.memory_space<hbm>>, %arg3: memref<320000xi32, #tpu.memory_space<hbm>>, %arg4: memref<10000x128xf32, #tpu.memory_space<hbm>>, %arg5: memref<2x10000x128xf32, #tpu.memory_space<hbm>>, %arg6: memref<128xi32, #tpu.memory_space<vmem>>, %arg7: memref<128xi32, #tpu.memory_space<vmem>>, %arg8: memref<128xi32, #tpu.memory_space<vmem>>, %arg9: memref<128xi32, #tpu.memory_space<vmem>>, %arg10: memref<128xi32, #tpu.memory_space<vmem>>, %arg11: memref<128xi32, #tpu.memory_space<vmem>>, %arg12: memref<128xi32, #tpu.memory_space<vmem>>, %arg13: memref<128xi32, #tpu.memory_space<vmem>>, %arg14: memref<16xi32, #tpu.memory_space<vmem>>, %arg15: memref<16xi32, #tpu.memory_space<vmem>>, %arg16: memref<128x128xf32, #tpu.memory_space<vmem>>, %arg17: memref<128x128xf32, #tpu.memory_space<vmem>>, %arg18: memref<10000x128xf32, #tpu.memory_space<vmem_shared>>, %arg19: memref<!tpu.dma_semaphore, #tpu.memory_space<semaphore_mem>>, %arg20: memref<!tpu.dma_semaphore, #tpu.memory_space<semaphore_mem>>, %arg21: memref<!tpu.dma_semaphore, #tpu.memory_space<semaphore_mem>>, %arg22: memref<!tpu.dma_semaphore, #tpu.memory_space<semaphore_mem>>, %arg23: memref<!tpu.dma_semaphore, #tpu.memory_space<semaphore_mem>>, %arg24: memref<!tpu.dma_semaphore, #tpu.memory_space<semaphore_mem>>, %arg25: memref<!tpu.dma_semaphore, #tpu.memory_space<semaphore_mem>>, %arg26: memref<!tpu.dma_semaphore, #tpu.memory_space<semaphore_mem>>, %arg27: memref<!tpu.dma_semaphore, #tpu.memory_space<semaphore_mem>>, %arg28: memref<!tpu.dma_semaphore, #tpu.memory_space<semaphore_mem>>) attributes {dimension_semantics = [#tpu.dimension_semantics<core_parallel>, #tpu.dimension_semantics<subcore_parallel>], iteration_bounds = array<i64: 2, 16>, scalar_prefetch = 0 : i64, scratch_operands = 23 : i64, tpu.core_type = #tpu.core_type<sc_vector_subcore>, window_params = [{transform_indices = #map}, {transform_indices = #map}, {transform_indices = #map1}, {transform_indices = #map2}]} {
    %mul3A = arith.constant 16 : i32
    %mul3A_0 = arith.muli %arg0, %mul3A : i32
    %add3A = arith.addi %mul3A_0, %arg1 : i32
    %mul3A_1 = arith.constant 10000 : i32
    %mul3A_2 = arith.muli %add3A, %mul3A_1 : i32
    %broadcast_in_dim3A = arith.constant 0.000000e+00 : f32
    %broadcast_in_dim3A_3 = vector.broadcast %broadcast_in_dim3A : f32 to vector<16xf32>
    %scan3A = arith.constant 0 : i32
    %scan3A_4 = arith.constant 1024 : i32
    %scan3A_5 = arith.addi %scan3A, %scan3A_4 : i32
    %scan3A_6 = arith.constant 1 : i32
    scf.for %scan3A_100 = %scan3A to %scan3A_5 step %scan3A_6  : i32 {
      %jit3A = arith.constant 8 : i32
      %div3A = arith.divsi %scan3A_100, %jit3A : i32
      %sign3A = arith.constant 0 : i32
      %sign3A_101 = arith.cmpi sgt, %scan3A_100, %sign3A : i32
      %sign3A_102 = arith.extui %sign3A_101 : i1 to i32
      %sign3A_103 = arith.constant 0 : i32
      %sign3A_104 = arith.cmpi slt, %scan3A_100, %sign3A_103 : i32
      %sign3A_105 = arith.extui %sign3A_104 : i1 to i32
      %sign3A_106 = arith.subi %sign3A_102, %sign3A_105 : i32
      %sign3A_107 = arith.constant 0 : i32
      %sign3A_108 = arith.cmpi sgt, %jit3A, %sign3A_107 : i32
      %sign3A_109 = arith.extui %sign3A_108 : i1 to i32
      %sign3A_110 = arith.constant 0 : i32
      %sign3A_111 = arith.cmpi slt, %jit3A, %sign3A_110 : i32
      %sign3A_112 = arith.extui %sign3A_111 : i1 to i32
      %sign3A_113 = arith.subi %sign3A_109, %sign3A_112 : i32
      %ne3A = arith.cmpi ne, %sign3A_106, %sign3A_113 : i32
      %rem3A = arith.remsi %scan3A_100, %jit3A : i32
      %ne3A_114 = arith.constant 0 : i32
      %ne3A_115 = arith.cmpi ne, %rem3A, %ne3A_114 : i32
      %and3A = arith.andi %ne3A, %ne3A_115 : i1
      %sub3A = arith.constant 1 : i32
      %sub3A_116 = arith.subi %div3A, %sub3A : i32
      %select_n3A = arith.select %and3A, %sub3A_116, %div3A : i32
      %jit3A_117 = arith.constant 8 : i32
      %eq3A_118 = arith.constant 0 : i32
      %eq3A_119 = arith.cmpi eq, %jit3A_117, %eq3A_118 : i32
      %jit3A_120 = arith.constant 1 : i32
      %select_n3A_121 = arith.select %eq3A_119, %jit3A_120, %jit3A_117 : i32
      %rem3A_122 = arith.remsi %scan3A_100, %select_n3A_121 : i32
      %ne3A_123 = arith.constant 0 : i32
      %ne3A_124 = arith.cmpi ne, %rem3A_122, %ne3A_123 : i32
      %lt3A = arith.constant 0 : i32
      %lt3A_125 = arith.cmpi slt, %rem3A_122, %lt3A : i32
      %lt3A_126 = arith.constant 0 : i32
      %lt3A_127 = arith.cmpi slt, %select_n3A_121, %lt3A_126 : i32
      %ne3A_128 = arith.xori %lt3A_125, %lt3A_127 : i1
      %and3A_129 = arith.andi %ne3A_128, %ne3A_124 : i1
      %add3A_130 = arith.addi %rem3A_122, %select_n3A_121 : i32
      %select_n3A_131 = arith.select %and3A_129, %add3A_130, %rem3A_122 : i32
      %mul3A_132 = arith.constant 16 : i32
      %mul3A_133 = arith.muli %select_n3A_131, %mul3A_132 : i32
      %swap3A = arith.index_cast %select_n3A : i32 to index
      %swap3A_134 = arith.index_cast %mul3A_133 : i32 to index
      %swap3A_135 = tpu.vector_load %arg16[%swap3A, %swap3A_134] {strides = array<i32>} : memref<128x128xf32, #tpu.memory_space<vmem>>, vector<1x16xf32>,
      %swap3A_136 = vector.shape_cast %swap3A_135 : vector<1x16xf32> to vector<16xf32>
      %swap3A_137 = vector.shape_cast %broadcast_in_dim3A_3 : vector<16xf32> to vector<1x16xf32>
      tpu.vector_store %arg16[%swap3A, %swap3A_134], %swap3A_137 {strides = array<i32>} : memref<128x128xf32, #tpu.memory_space<vmem>>, vector<1x16xf32>,
    }
    %scan3A_7 = arith.constant 1024 : i32
    %mul3A_8 = arith.constant 624 : i32
    %mul3A_9 = arith.muli %arg1, %mul3A_8 : i32
    %multiple_of3A = tpu.assume_multiple %mul3A_9, 8 : i32
    %add3A_10 = arith.constant 0 : i32
    %add3A_11 = arith.addi %multiple_of3A, %add3A_10 : i32
    "tpu.region"() ({
      %run_scoped3A_100 = tpu.sem_alloc : memref<!tpu.dma_semaphore, #tpu.memory_space<semaphore_mem>>
      %dma_start3A_101 = arith.constant 0 : i32
      %dma_start3A_102 = tpu.memref_slice %arg18[%add3A_11, %dma_start3A_101] : memref<10000x128xf32, #tpu.memory_space<vmem_shared>> -> memref<128x128xf32, #tpu.memory_space<vmem_shared>>
      %dma_start3A_103 = arith.constant 0 : i32
      %dma_start3A_104 = tpu.memref_slice %arg18[%add3A_11, %dma_start3A_103] : memref<10000x128xf32, #tpu.memory_space<vmem_shared>> -> memref<128x128xf32, #tpu.memory_space<vmem_shared>>
      tpu.enqueue_dma source(%arg16 : memref<128x128xf32, #tpu.memory_space<vmem>>) target(%dma_start3A_104 : memref<128x128xf32, #tpu.memory_space<vmem_shared>>) target_semaphore(%run_scoped3A_100 : memref<!tpu.dma_semaphore, #tpu.memory_space<semaphore_mem>>)
      %dma_wait3A_105 = arith.constant 0 : i32
      %dma_wait3A_106 = tpu.memref_slice %arg18[%add3A_11, %dma_wait3A_105] : memref<10000x128xf32, #tpu.memory_space<vmem_shared>> -> memref<128x128xf32, #tpu.memory_space<vmem_shared>>
      %dma_wait3A_107 = arith.constant 0 : i32
      %dma_wait3A_108 = tpu.memref_slice %arg18[%add3A_11, %dma_wait3A_107] : memref<10000x128xf32, #tpu.memory_space<vmem_shared>> -> memref<128x128xf32, #tpu.memory_space<vmem_shared>>
      tpu.wait_dma2 semaphore(%run_scoped3A_100 : memref<!tpu.dma_semaphore, #tpu.memory_space<semaphore_mem>>) src(%arg16 : memref<128x128xf32, #tpu.memory_space<vmem>>) dst(%dma_wait3A_108 : memref<128x128xf32, #tpu.memory_space<vmem_shared>>)
      tpu.yield
    }) : () -> ()
    %add3A_12 = arith.constant 128 : i32
    %add3A_13 = arith.addi %multiple_of3A, %add3A_12 : i32
    "tpu.region"() ({
      %run_scoped3A_100 = tpu.sem_alloc : memref<!tpu.dma_semaphore, #tpu.memory_space<semaphore_mem>>
      %dma_start3A_101 = arith.constant 0 : i32
      %dma_start3A_102 = tpu.memref_slice %arg18[%add3A_13, %dma_start3A_101] : memref<10000x128xf32, #tpu.memory_space<vmem_shared>> -> memref<128x128xf32, #tpu.memory_space<vmem_shared>>
      %dma_start3A_103 = arith.constant 0 : i32
      %dma_start3A_104 = tpu.memref_slice %arg18[%add3A_13, %dma_start3A_103] : memref<10000x128xf32, #tpu.memory_space<vmem_shared>> -> memref<128x128xf32, #tpu.memory_space<vmem_shared>>
      tpu.enqueue_dma source(%arg16 : memref<128x128xf32, #tpu.memory_space<vmem>>) target(%dma_start3A_104 : memref<128x128xf32, #tpu.memory_space<vmem_shared>>) target_semaphore(%run_scoped3A_100 : memref<!tpu.dma_semaphore, #tpu.memory_space<semaphore_mem>>)
      %dma_wait3A_105 = arith.constant 0 : i32
      %dma_wait3A_106 = tpu.memref_slice %arg18[%add3A_13, %dma_wait3A_105] : memref<10000x128xf32, #tpu.memory_space<vmem_shared>> -> memref<128x128xf32, #tpu.memory_space<vmem_shared>>
      %dma_wait3A_107 = arith.constant 0 : i32
      %dma_wait3A_108 = tpu.memref_slice %arg18[%add3A_13, %dma_wait3A_107] : memref<10000x128xf32, #tpu.memory_space<vmem_shared>> -> memref<128x128xf32, #tpu.memory_space<vmem_shared>>
      tpu.wait_dma2 semaphore(%run_scoped3A_100 : memref<!tpu.dma_semaphore, #tpu.memory_space<semaphore_mem>>) src(%arg16 : memref<128x128xf32, #tpu.memory_space<vmem>>) dst(%dma_wait3A_108 : memref<128x128xf32, #tpu.memory_space<vmem_shared>>)
      tpu.yield
    }) : () -> ()
    %add3A_14 = arith.constant 256 : i32
    %add3A_15 = arith.addi %multiple_of3A, %add3A_14 : i32
    "tpu.region"() ({
      %run_scoped3A_100 = tpu.sem_alloc : memref<!tpu.dma_semaphore, #tpu.memory_space<semaphore_mem>>
      %dma_start3A_101 = arith.constant 0 : i32
      %dma_start3A_102 = tpu.memref_slice %arg18[%add3A_15, %dma_start3A_101] : memref<10000x128xf32, #tpu.memory_space<vmem_shared>> -> memref<128x128xf32, #tpu.memory_space<vmem_shared>>
      %dma_start3A_103 = arith.constant 0 : i32
      %dma_start3A_104 = tpu.memref_slice %arg18[%add3A_15, %dma_start3A_103] : memref<10000x128xf32, #tpu.memory_space<vmem_shared>> -> memref<128x128xf32, #tpu.memory_space<vmem_shared>>
      tpu.enqueue_dma source(%arg16 : memref<128x128xf32, #tpu.memory_space<vmem>>) target(%dma_start3A_104 : memref<128x128xf32, #tpu.memory_space<vmem_shared>>) target_semaphore(%run_scoped3A_100 : memref<!tpu.dma_semaphore, #tpu.memory_space<semaphore_mem>>)
      %dma_wait3A_105 = arith.constant 0 : i32
      %dma_wait3A_106 = tpu.memref_slice %arg18[%add3A_15, %dma_wait3A_105] : memref<10000x128xf32, #tpu.memory_space<vmem_shared>> -> memref<128x128xf32, #tpu.memory_space<vmem_shared>>
      %dma_wait3A_107 = arith.constant 0 : i32
      %dma_wait3A_108 = tpu.memref_slice %arg18[%add3A_15, %dma_wait3A_107] : memref<10000x128xf32, #tpu.memory_space<vmem_shared>> -> memref<128x128xf32, #tpu.memory_space<vmem_shared>>
      tpu.wait_dma2 semaphore(%run_scoped3A_100 : memref<!tpu.dma_semaphore, #tpu.memory_space<semaphore_mem>>) src(%arg16 : memref<128x128xf32, #tpu.memory_space<vmem>>) dst(%dma_wait3A_108 : memref<128x128xf32, #tpu.memory_space<vmem_shared>>)
      tpu.yield
    }) : () -> ()
    %add3A_16 = arith.constant 384 : i32
    %add3A_17 = arith.addi %multiple_of3A, %add3A_16 : i32
    "tpu.region"() ({
      %run_scoped3A_100 = tpu.sem_alloc : memref<!tpu.dma_semaphore, #tpu.memory_space<semaphore_mem>>
      %dma_start3A_101 = arith.constant 0 : i32
      %dma_start3A_102 = tpu.memref_slice %arg18[%add3A_17, %dma_start3A_101] : memref<10000x128xf32, #tpu.memory_space<vmem_shared>> -> memref<128x128xf32, #tpu.memory_space<vmem_shared>>
      %dma_start3A_103 = arith.constant 0 : i32
      %dma_start3A_104 = tpu.memref_slice %arg18[%add3A_17, %dma_start3A_103] : memref<10000x128xf32, #tpu.memory_space<vmem_shared>> -> memref<128x128xf32, #tpu.memory_space<vmem_shared>>
      tpu.enqueue_dma source(%arg16 : memref<128x128xf32, #tpu.memory_space<vmem>>) target(%dma_start3A_104 : memref<128x128xf32, #tpu.memory_space<vmem_shared>>) target_semaphore(%run_scoped3A_100 : memref<!tpu.dma_semaphore, #tpu.memory_space<semaphore_mem>>)
      %dma_wait3A_105 = arith.constant 0 : i32
      %dma_wait3A_106 = tpu.memref_slice %arg18[%add3A_17, %dma_wait3A_105] : memref<10000x128xf32, #tpu.memory_space<vmem_shared>> -> memref<128x128xf32, #tpu.memory_space<vmem_shared>>
      %dma_wait3A_107 = arith.constant 0 : i32
      %dma_wait3A_108 = tpu.memref_slice %arg18[%add3A_17, %dma_wait3A_107] : memref<10000x128xf32, #tpu.memory_space<vmem_shared>> -> memref<128x128xf32, #tpu.memory_space<vmem_shared>>
      tpu.wait_dma2 semaphore(%run_scoped3A_100 : memref<!tpu.dma_semaphore, #tpu.memory_space<semaphore_mem>>) src(%arg16 : memref<128x128xf32, #tpu.memory_space<vmem>>) dst(%dma_wait3A_108 : memref<128x128xf32, #tpu.memory_space<vmem_shared>>)
      tpu.yield
    }) : () -> ()
    %add3A_18 = arith.constant 512 : i32
    %add3A_19 = arith.addi %multiple_of3A, %add3A_18 : i32
    "tpu.region"() ({
      %run_scoped3A_100 = tpu.sem_alloc : memref<!tpu.dma_semaphore, #tpu.memory_space<semaphore_mem>>
      %dma_start3A_101 = arith.constant 0 : i32
      %dma_start3A_102 = arith.constant 0 : i32
      %dma_start3A_103 = tpu.memref_slice %arg16[%dma_start3A_101, %dma_start3A_102] : memref<128x128xf32, #tpu.memory_space<vmem>> -> memref<112x128xf32, #tpu.memory_space<vmem>>
      %dma_start3A_104 = arith.constant 0 : i32
      %dma_start3A_105 = tpu.memref_slice %arg18[%add3A_19, %dma_start3A_104] : memref<10000x128xf32, #tpu.memory_space<vmem_shared>> -> memref<112x128xf32, #tpu.memory_space<vmem_shared>>
      %dma_start3A_106 = arith.constant 0 : i32
      %dma_start3A_107 = tpu.memref_slice %arg18[%add3A_19, %dma_start3A_106] : memref<10000x128xf32, #tpu.memory_space<vmem_shared>> -> memref<112x128xf32, #tpu.memory_space<vmem_shared>>
      %dma_start3A_108 = arith.constant 0 : i32
      %dma_start3A_109 = arith.constant 0 : i32
      %dma_start3A_110 = tpu.memref_slice %arg16[%dma_start3A_108, %dma_start3A_109] : memref<128x128xf32, #tpu.memory_space<vmem>> -> memref<112x128xf32, #tpu.memory_space<vmem>>
      tpu.enqueue_dma source(%dma_start3A_110 : memref<112x128xf32, #tpu.memory_space<vmem>>) target(%dma_start3A_107 : memref<112x128xf32, #tpu.memory_space<vmem_shared>>) target_semaphore(%run_scoped3A_100 : memref<!tpu.dma_semaphore, #tpu.memory_space<semaphore_mem>>)
      %dma_wait3A_111 = arith.constant 0 : i32
      %dma_wait3A_112 = arith.constant 0 : i32
      %dma_wait3A_113 = tpu.memref_slice %arg16[%dma_wait3A_111, %dma_wait3A_112] : memref<128x128xf32, #tpu.memory_space<vmem>> -> memref<112x128xf32, #tpu.memory_space<vmem>>
      %dma_wait3A_114 = arith.constant 0 : i32
      %dma_wait3A_115 = tpu.memref_slice %arg18[%add3A_19, %dma_wait3A_114] : memref<10000x128xf32, #tpu.memory_space<vmem_shared>> -> memref<112x128xf32, #tpu.memory_space<vmem_shared>>
      %dma_wait3A_116 = arith.constant 0 : i32
      %dma_wait3A_117 = tpu.memref_slice %arg18[%add3A_19, %dma_wait3A_116] : memref<10000x128xf32, #tpu.memory_space<vmem_shared>> -> memref<112x128xf32, #tpu.memory_space<vmem_shared>>
      %dma_wait3A_118 = arith.constant 0 : i32
      %dma_wait3A_119 = arith.constant 0 : i32
      %dma_wait3A_120 = tpu.memref_slice %arg16[%dma_wait3A_118, %dma_wait3A_119] : memref<128x128xf32, #tpu.memory_space<vmem>> -> memref<112x128xf32, #tpu.memory_space<vmem>>
      tpu.wait_dma2 semaphore(%run_scoped3A_100 : memref<!tpu.dma_semaphore, #tpu.memory_space<semaphore_mem>>) src(%dma_wait3A_120 : memref<112x128xf32, #tpu.memory_space<vmem>>) dst(%dma_wait3A_117 : memref<112x128xf32, #tpu.memory_space<vmem_shared>>)
      tpu.yield
    }) : () -> ()
    %eq3A = arith.constant 15 : i32
    %eq3A_20 = arith.cmpi eq, %arg1, %eq3A : i32
    %convert_element_type3A = arith.extui %eq3A_20 : i1 to i32
    %cond3A = arith.constant 0 : i32
    %cond3A_21 = arith.cmpi ne, %convert_element_type3A, %cond3A : i32
    scf.if %cond3A_21 {
      "tpu.region"() ({
        %run_scoped3A_100 = tpu.sem_alloc : memref<!tpu.dma_semaphore, #tpu.memory_space<semaphore_mem>>
        %dma_start3A_101 = arith.constant 0 : i32
        %dma_start3A_102 = arith.constant 0 : i32
        %dma_start3A_103 = tpu.memref_slice %arg16[%dma_start3A_101, %dma_start3A_102] : memref<128x128xf32, #tpu.memory_space<vmem>> -> memref<16x128xf32, #tpu.memory_space<vmem>>
        %dma_start3A_104 = arith.constant 9984 : i32
        %dma_start3A_105 = arith.constant 0 : i32
        %dma_start3A_106 = tpu.memref_slice %arg18[%dma_start3A_104, %dma_start3A_105] : memref<10000x128xf32, #tpu.memory_space<vmem_shared>> -> memref<16x128xf32, #tpu.memory_space<vmem_shared>>
        %dma_start3A_107 = arith.constant 9984 : i32
        %dma_start3A_108 = arith.constant 0 : i32
        %dma_start3A_109 = tpu.memref_slice %arg18[%dma_start3A_107, %dma_start3A_108] : memref<10000x128xf32, #tpu.memory_space<vmem_shared>> -> memref<16x128xf32, #tpu.memory_space<vmem_shared>>
        %dma_start3A_110 = arith.constant 0 : i32
        %dma_start3A_111 = arith.constant 0 : i32
        %dma_start3A_112 = tpu.memref_slice %arg16[%dma_start3A_110, %dma_start3A_111] : memref<128x128xf32, #tpu.memory_space<vmem>> -> memref<16x128xf32, #tpu.memory_space<vmem>>
        tpu.enqueue_dma source(%dma_start3A_112 : memref<16x128xf32, #tpu.memory_space<vmem>>) target(%dma_start3A_109 : memref<16x128xf32, #tpu.memory_space<vmem_shared>>) target_semaphore(%run_scoped3A_100 : memref<!tpu.dma_semaphore, #tpu.memory_space<semaphore_mem>>)
        %dma_wait3A_113 = arith.constant 0 : i32
        %dma_wait3A_114 = arith.constant 0 : i32
        %dma_wait3A_115 = tpu.memref_slice %arg16[%dma_wait3A_113, %dma_wait3A_114] : memref<128x128xf32, #tpu.memory_space<vmem>> -> memref<16x128xf32, #tpu.memory_space<vmem>>
        %dma_wait3A_116 = arith.constant 9984 : i32
        %dma_wait3A_117 = arith.constant 0 : i32
        %dma_wait3A_118 = tpu.memref_slice %arg18[%dma_wait3A_116, %dma_wait3A_117] : memref<10000x128xf32, #tpu.memory_space<vmem_shared>> -> memref<16x128xf32, #tpu.memory_space<vmem_shared>>
        %dma_wait3A_119 = arith.constant 9984 : i32
        %dma_wait3A_120 = arith.constant 0 : i32
        %dma_wait3A_121 = tpu.memref_slice %arg18[%dma_wait3A_119, %dma_wait3A_120] : memref<10000x128xf32, #tpu.memory_space<vmem_shared>> -> memref<16x128xf32, #tpu.memory_space<vmem_shared>>
        %dma_wait3A_122 = arith.constant 0 : i32
        %dma_wait3A_123 = arith.constant 0 : i32
        %dma_wait3A_124 = tpu.memref_slice %arg16[%dma_wait3A_122, %dma_wait3A_123] : memref<128x128xf32, #tpu.memory_space<vmem>> -> memref<16x128xf32, #tpu.memory_space<vmem>>
        tpu.wait_dma2 semaphore(%run_scoped3A_100 : memref<!tpu.dma_semaphore, #tpu.memory_space<semaphore_mem>>) src(%dma_wait3A_124 : memref<16x128xf32, #tpu.memory_space<vmem>>) dst(%dma_wait3A_121 : memref<16x128xf32, #tpu.memory_space<vmem_shared>>)
        tpu.yield
      }) : () -> ()
    } else {
    }
    %barrier3A = arith.constant 0 : index
    tpu.barrier barrier_id(%barrier3A)
    %add3A_22 = arith.constant 0 : i32
    %add3A_23 = arith.addi %mul3A_2, %add3A_22 : i32
    %multiple_of3A_24 = tpu.assume_multiple %add3A_23, 8 : i32
    %dma_start3A = tpu.memref_slice %arg2[%multiple_of3A_24] : memref<320000xi32, #tpu.memory_space<hbm>> -> memref<128xi32, #tpu.memory_space<hbm>>
    %dma_start3A_25 = tpu.memref_slice %arg2[%multiple_of3A_24] : memref<320000xi32, #tpu.memory_space<hbm>> -> memref<128xi32, #tpu.memory_space<hbm>>
    tpu.enqueue_dma source(%dma_start3A_25 : memref<128xi32, #tpu.memory_space<hbm>>) target(%arg6 : memref<128xi32, #tpu.memory_space<vmem>>) target_semaphore(%arg21 : memref<!tpu.dma_semaphore, #tpu.memory_space<semaphore_mem>>)
    %dma_start3A_26 = tpu.memref_slice %arg3[%multiple_of3A_24] : memref<320000xi32, #tpu.memory_space<hbm>> -> memref<128xi32, #tpu.memory_space<hbm>>
    %dma_start3A_27 = tpu.memref_slice %arg3[%multiple_of3A_24] : memref<320000xi32, #tpu.memory_space<hbm>> -> memref<128xi32, #tpu.memory_space<hbm>>
    tpu.enqueue_dma source(%dma_start3A_27 : memref<128xi32, #tpu.memory_space<hbm>>) target(%arg10 : memref<128xi32, #tpu.memory_space<vmem>>) target_semaphore(%arg25 : memref<!tpu.dma_semaphore, #tpu.memory_space<semaphore_mem>>)
    %add3A_28 = arith.constant 128 : i32
    %add3A_29 = arith.addi %mul3A_2, %add3A_28 : i32
    %multiple_of3A_30 = tpu.assume_multiple %add3A_29, 8 : i32
    %dma_start3A_31 = tpu.memref_slice %arg2[%multiple_of3A_30] : memref<320000xi32, #tpu.memory_space<hbm>> -> memref<128xi32, #tpu.memory_space<hbm>>
    %dma_start3A_32 = tpu.memref_slice %arg2[%multiple_of3A_30] : memref<320000xi32, #tpu.memory_space<hbm>> -> memref<128xi32, #tpu.memory_space<hbm>>
    tpu.enqueue_dma source(%dma_start3A_32 : memref<128xi32, #tpu.memory_space<hbm>>) target(%arg7 : memref<128xi32, #tpu.memory_space<vmem>>) target_semaphore(%arg22 : memref<!tpu.dma_semaphore, #tpu.memory_space<semaphore_mem>>)
    %dma_start3A_33 = tpu.memref_slice %arg3[%multiple_of3A_30] : memref<320000xi32, #tpu.memory_space<hbm>> -> memref<128xi32, #tpu.memory_space<hbm>>
    %dma_start3A_34 = tpu.memref_slice %arg3[%multiple_of3A_30] : memref<320000xi32, #tpu.memory_space<hbm>> -> memref<128xi32, #tpu.memory_space<hbm>>
    tpu.enqueue_dma source(%dma_start3A_34 : memref<128xi32, #tpu.memory_space<hbm>>) target(%arg11 : memref<128xi32, #tpu.memory_space<vmem>>) target_semaphore(%arg26 : memref<!tpu.dma_semaphore, #tpu.memory_space<semaphore_mem>>)
    %add3A_35 = arith.constant 256 : i32
    %add3A_36 = arith.addi %mul3A_2, %add3A_35 : i32
    %multiple_of3A_37 = tpu.assume_multiple %add3A_36, 8 : i32
    %dma_start3A_38 = tpu.memref_slice %arg2[%multiple_of3A_37] : memref<320000xi32, #tpu.memory_space<hbm>> -> memref<128xi32, #tpu.memory_space<hbm>>
    %dma_start3A_39 = tpu.memref_slice %arg2[%multiple_of3A_37] : memref<320000xi32, #tpu.memory_space<hbm>> -> memref<128xi32, #tpu.memory_space<hbm>>
    tpu.enqueue_dma source(%dma_start3A_39 : memref<128xi32, #tpu.memory_space<hbm>>) target(%arg8 : memref<128xi32, #tpu.memory_space<vmem>>) target_semaphore(%arg23 : memref<!tpu.dma_semaphore, #tpu.memory_space<semaphore_mem>>)
    %dma_start3A_40 = tpu.memref_slice %arg3[%multiple_of3A_37] : memref<320000xi32, #tpu.memory_space<hbm>> -> memref<128xi32, #tpu.memory_space<hbm>>
    %dma_start3A_41 = tpu.memref_slice %arg3[%multiple_of3A_37] : memref<320000xi32, #tpu.memory_space<hbm>> -> memref<128xi32, #tpu.memory_space<hbm>>
    tpu.enqueue_dma source(%dma_start3A_41 : memref<128xi32, #tpu.memory_space<hbm>>) target(%arg12 : memref<128xi32, #tpu.memory_space<vmem>>) target_semaphore(%arg27 : memref<!tpu.dma_semaphore, #tpu.memory_space<semaphore_mem>>)
    %add3A_42 = arith.constant 384 : i32
    %add3A_43 = arith.addi %mul3A_2, %add3A_42 : i32
    %multiple_of3A_44 = tpu.assume_multiple %add3A_43, 8 : i32
    %dma_start3A_45 = tpu.memref_slice %arg2[%multiple_of3A_44] : memref<320000xi32, #tpu.memory_space<hbm>> -> memref<128xi32, #tpu.memory_space<hbm>>
    %dma_start3A_46 = tpu.memref_slice %arg2[%multiple_of3A_44] : memref<320000xi32, #tpu.memory_space<hbm>> -> memref<128xi32, #tpu.memory_space<hbm>>
    tpu.enqueue_dma source(%dma_start3A_46 : memref<128xi32, #tpu.memory_space<hbm>>) target(%arg9 : memref<128xi32, #tpu.memory_space<vmem>>) target_semaphore(%arg24 : memref<!tpu.dma_semaphore, #tpu.memory_space<semaphore_mem>>)
    %dma_start3A_47 = tpu.memref_slice %arg3[%multiple_of3A_44] : memref<320000xi32, #tpu.memory_space<hbm>> -> memref<128xi32, #tpu.memory_space<hbm>>
    %dma_start3A_48 = tpu.memref_slice %arg3[%multiple_of3A_44] : memref<320000xi32, #tpu.memory_space<hbm>> -> memref<128xi32, #tpu.memory_space<hbm>>
    tpu.enqueue_dma source(%dma_start3A_48 : memref<128xi32, #tpu.memory_space<hbm>>) target(%arg13 : memref<128xi32, #tpu.memory_space<vmem>>) target_semaphore(%arg28 : memref<!tpu.dma_semaphore, #tpu.memory_space<semaphore_mem>>)
    %add3A_49 = arith.constant 0 : i32
    %add3A_50 = arith.addi %mul3A_2, %add3A_49 : i32
    %multiple_of3A_51 = tpu.assume_multiple %add3A_50, 8 : i32
    %dma_wait3A = tpu.memref_slice %arg2[%multiple_of3A_51] : memref<320000xi32, #tpu.memory_space<hbm>> -> memref<128xi32, #tpu.memory_space<hbm>>
    %dma_wait3A_52 = tpu.memref_slice %arg2[%multiple_of3A_51] : memref<320000xi32, #tpu.memory_space<hbm>> -> memref<128xi32, #tpu.memory_space<hbm>>
    tpu.wait_dma2 semaphore(%arg21 : memref<!tpu.dma_semaphore, #tpu.memory_space<semaphore_mem>>) src(%dma_wait3A_52 : memref<128xi32, #tpu.memory_space<hbm>>) dst(%arg6 : memref<128xi32, #tpu.memory_space<vmem>>)
    %dma_wait3A_53 = tpu.memref_slice %arg3[%multiple_of3A_51] : memref<320000xi32, #tpu.memory_space<hbm>> -> memref<128xi32, #tpu.memory_space<hbm>>
    %dma_wait3A_54 = tpu.memref_slice %arg3[%multiple_of3A_51] : memref<320000xi32, #tpu.memory_space<hbm>> -> memref<128xi32, #tpu.memory_space<hbm>>
    tpu.wait_dma2 semaphore(%arg25 : memref<!tpu.dma_semaphore, #tpu.memory_space<semaphore_mem>>) src(%dma_wait3A_54 : memref<128xi32, #tpu.memory_space<hbm>>) dst(%arg10 : memref<128xi32, #tpu.memory_space<vmem>>)
    %dma_start3A_55 = arith.constant 0 : i32
    %dma_start3A_56 = arith.constant 0 : i32
    %dma_start3A_57 = tpu.memref_slice %arg4[%dma_start3A_55, %dma_start3A_56] : memref<10000x128xf32, #tpu.memory_space<hbm>> -> memref<10000x128xf32, #tpu.memory_space<hbm>>
    tpu.enqueue_indirect_dma source(%dma_start3A_57 : memref<10000x128xf32, #tpu.memory_space<hbm>>) target(%arg16 : memref<128x128xf32, #tpu.memory_space<vmem>>) offsets(%arg6 : memref<128xi32, #tpu.memory_space<vmem>>) semaphore(%arg19 : memref<!tpu.dma_semaphore, #tpu.memory_space<semaphore_mem>>)
    %add3A_58 = arith.constant 128 : i32
    %add3A_59 = arith.addi %mul3A_2, %add3A_58 : i32
    %multiple_of3A_60 = tpu.assume_multiple %add3A_59, 8 : i32
    %dma_wait3A_61 = tpu.memref_slice %arg2[%multiple_of3A_60] : memref<320000xi32, #tpu.memory_space<hbm>> -> memref<128xi32, #tpu.memory_space<hbm>>
    %dma_wait3A_62 = tpu.memref_slice %arg2[%multiple_of3A_60] : memref<320000xi32, #tpu.memory_space<hbm>> -> memref<128xi32, #tpu.memory_space<hbm>>
    tpu.wait_dma2 semaphore(%arg22 : memref<!tpu.dma_semaphore, #tpu.memory_space<semaphore_mem>>) src(%dma_wait3A_62 : memref<128xi32, #tpu.memory_space<hbm>>) dst(%arg7 : memref<128xi32, #tpu.memory_space<vmem>>)
    %dma_wait3A_63 = tpu.memref_slice %arg3[%multiple_of3A_60] : memref<320000xi32, #tpu.memory_space<hbm>> -> memref<128xi32, #tpu.memory_space<hbm>>
    %dma_wait3A_64 = tpu.memref_slice %arg3[%multiple_of3A_60] : memref<320000xi32, #tpu.memory_space<hbm>> -> memref<128xi32, #tpu.memory_space<hbm>>
    tpu.wait_dma2 semaphore(%arg26 : memref<!tpu.dma_semaphore, #tpu.memory_space<semaphore_mem>>) src(%dma_wait3A_64 : memref<128xi32, #tpu.memory_space<hbm>>) dst(%arg11 : memref<128xi32, #tpu.memory_space<vmem>>)
    %dma_start3A_65 = arith.constant 0 : i32
    %dma_start3A_66 = arith.constant 0 : i32
    %dma_start3A_67 = tpu.memref_slice %arg4[%dma_start3A_65, %dma_start3A_66] : memref<10000x128xf32, #tpu.memory_space<hbm>> -> memref<10000x128xf32, #tpu.memory_space<hbm>>
    tpu.enqueue_indirect_dma source(%dma_start3A_67 : memref<10000x128xf32, #tpu.memory_space<hbm>>) target(%arg17 : memref<128x128xf32, #tpu.memory_space<vmem>>) offsets(%arg7 : memref<128xi32, #tpu.memory_space<vmem>>) semaphore(%arg20 : memref<!tpu.dma_semaphore, #tpu.memory_space<semaphore_mem>>)
    %scan3A_68 = arith.constant 0 : i32
    %scan3A_69 = arith.constant 19 : i32
    %scan3A_70 = arith.addi %scan3A_68, %scan3A_69 : i32
    %scan3A_71 = arith.constant 1 : i32
    scf.for %scan3A_100 = %scan3A_68 to %scan3A_70 step %scan3A_71  : i32 {
      %mul3A_101 = arith.constant 4 : i32
      %mul3A_102 = arith.muli %scan3A_100, %mul3A_101 : i32
      %add3A_103 = arith.constant 0 : i32
      %add3A_104 = arith.addi %mul3A_102, %add3A_103 : i32
      %dma_wait3A_105 = arith.constant 0 : i32
      %dma_wait3A_106 = arith.constant 0 : i32
      %dma_wait3A_107 = tpu.memref_slice %arg4[%dma_wait3A_105, %dma_wait3A_106] : memref<10000x128xf32, #tpu.memory_space<hbm>> -> memref<10000x128xf32, #tpu.memory_space<hbm>>
      tpu.wait_indirect_dma semaphore(%arg19 : memref<!tpu.dma_semaphore, #tpu.memory_space<semaphore_mem>>) src(%dma_wait3A_107 : memref<10000x128xf32, #tpu.memory_space<hbm>>) dst(%arg16 : memref<128x128xf32, #tpu.memory_space<vmem>>)
      "tpu.region"() ({
        %run_scoped3A_178 = tpu.sem_alloc : memref<!tpu.dma_semaphore, #tpu.memory_space<semaphore_mem>>
        %dma_start3A_179 = arith.constant 0 : i32
        %dma_start3A_180 = arith.constant 0 : i32
        %dma_start3A_181 = tpu.memref_slice %arg18[%dma_start3A_179, %dma_start3A_180] : memref<10000x128xf32, #tpu.memory_space<vmem_shared>> -> memref<10000x128xf32, #tpu.memory_space<vmem_shared>>
        tpu.enqueue_indirect_dma source(%arg16 : memref<128x128xf32, #tpu.memory_space<vmem>>) target(%dma_start3A_181 : memref<10000x128xf32, #tpu.memory_space<vmem_shared>>) offsets(%arg10 : memref<128xi32, #tpu.memory_space<vmem>>) semaphore(%run_scoped3A_178 : memref<!tpu.dma_semaphore, #tpu.memory_space<semaphore_mem>>) {add = true}
        %dma_wait3A_182 = arith.constant 0 : i32
        %dma_wait3A_183 = arith.constant 0 : i32
        %dma_wait3A_184 = tpu.memref_slice %arg18[%dma_wait3A_182, %dma_wait3A_183] : memref<10000x128xf32, #tpu.memory_space<vmem_shared>> -> memref<10000x128xf32, #tpu.memory_space<vmem_shared>>
        tpu.wait_indirect_dma semaphore(%run_scoped3A_178 : memref<!tpu.dma_semaphore, #tpu.memory_space<semaphore_mem>>) src(%arg16 : memref<128x128xf32, #tpu.memory_space<vmem>>) dst(%dma_wait3A_184 : memref<10000x128xf32, #tpu.memory_space<vmem_shared>>)
        tpu.yield
      }) : () -> ()
      %add3A_108 = arith.constant 4 : i32
      %add3A_109 = arith.addi %add3A_104, %add3A_108 : i32
      %lt3A = arith.constant 78 : i32
      %lt3A_110 = arith.cmpi slt, %add3A_109, %lt3A : i32
      %convert_element_type3A_111 = arith.extui %lt3A_110 : i1 to i32
      %cond3A_112 = arith.constant 0 : i32
      %cond3A_113 = arith.cmpi ne, %convert_element_type3A_111, %cond3A_112 : i32
      scf.if %cond3A_113 {
        %add3A_178 = arith.constant 4 : i32
        %add3A_179 = arith.addi %add3A_104, %add3A_178 : i32
        %mul3A_180 = arith.constant 128 : i32
        %mul3A_181 = arith.muli %add3A_179, %mul3A_180 : i32
        %add3A_182 = arith.addi %mul3A_2, %mul3A_181 : i32
        %multiple_of3A_183 = tpu.assume_multiple %add3A_182, 8 : i32
        %dma_start3A_184 = tpu.memref_slice %arg2[%multiple_of3A_183] : memref<320000xi32, #tpu.memory_space<hbm>> -> memref<128xi32, #tpu.memory_space<hbm>>
        %dma_start3A_185 = tpu.memref_slice %arg2[%multiple_of3A_183] : memref<320000xi32, #tpu.memory_space<hbm>> -> memref<128xi32, #tpu.memory_space<hbm>>
        tpu.enqueue_dma source(%dma_start3A_185 : memref<128xi32, #tpu.memory_space<hbm>>) target(%arg6 : memref<128xi32, #tpu.memory_space<vmem>>) target_semaphore(%arg21 : memref<!tpu.dma_semaphore, #tpu.memory_space<semaphore_mem>>)
        %dma_start3A_186 = tpu.memref_slice %arg3[%multiple_of3A_183] : memref<320000xi32, #tpu.memory_space<hbm>> -> memref<128xi32, #tpu.memory_space<hbm>>
        %dma_start3A_187 = tpu.memref_slice %arg3[%multiple_of3A_183] : memref<320000xi32, #tpu.memory_space<hbm>> -> memref<128xi32, #tpu.memory_space<hbm>>
        tpu.enqueue_dma source(%dma_start3A_187 : memref<128xi32, #tpu.memory_space<hbm>>) target(%arg10 : memref<128xi32, #tpu.memory_space<vmem>>) target_semaphore(%arg25 : memref<!tpu.dma_semaphore, #tpu.memory_space<semaphore_mem>>)
      } else {
      }
      %add3A_114 = arith.constant 2 : i32
      %add3A_115 = arith.addi %add3A_104, %add3A_114 : i32
      %lt3A_116 = arith.constant 78 : i32
      %lt3A_117 = arith.cmpi slt, %add3A_115, %lt3A_116 : i32
      %convert_element_type3A_118 = arith.extui %lt3A_117 : i1 to i32
      %cond3A_119 = arith.constant 0 : i32
      %cond3A_120 = arith.cmpi ne, %convert_element_type3A_118, %cond3A_119 : i32
      scf.if %cond3A_120 {
        %add3A_178 = arith.constant 2 : i32
        %add3A_179 = arith.addi %add3A_104, %add3A_178 : i32
        %mul3A_180 = arith.constant 128 : i32
        %mul3A_181 = arith.muli %add3A_179, %mul3A_180 : i32
        %add3A_182 = arith.addi %mul3A_2, %mul3A_181 : i32
        %multiple_of3A_183 = tpu.assume_multiple %add3A_182, 8 : i32
        %dma_wait3A_184 = tpu.memref_slice %arg2[%multiple_of3A_183] : memref<320000xi32, #tpu.memory_space<hbm>> -> memref<128xi32, #tpu.memory_space<hbm>>
        %dma_wait3A_185 = tpu.memref_slice %arg2[%multiple_of3A_183] : memref<320000xi32, #tpu.memory_space<hbm>> -> memref<128xi32, #tpu.memory_space<hbm>>
        tpu.wait_dma2 semaphore(%arg23 : memref<!tpu.dma_semaphore, #tpu.memory_space<semaphore_mem>>) src(%dma_wait3A_185 : memref<128xi32, #tpu.memory_space<hbm>>) dst(%arg8 : memref<128xi32, #tpu.memory_space<vmem>>)
        %dma_wait3A_186 = tpu.memref_slice %arg3[%multiple_of3A_183] : memref<320000xi32, #tpu.memory_space<hbm>> -> memref<128xi32, #tpu.memory_space<hbm>>
        %dma_wait3A_187 = tpu.memref_slice %arg3[%multiple_of3A_183] : memref<320000xi32, #tpu.memory_space<hbm>> -> memref<128xi32, #tpu.memory_space<hbm>>
        tpu.wait_dma2 semaphore(%arg27 : memref<!tpu.dma_semaphore, #tpu.memory_space<semaphore_mem>>) src(%dma_wait3A_187 : memref<128xi32, #tpu.memory_space<hbm>>) dst(%arg12 : memref<128xi32, #tpu.memory_space<vmem>>)
        %add3A_188 = arith.constant 2 : i32
        %add3A_189 = arith.addi %add3A_104, %add3A_188 : i32
        %dma_start3A_190 = arith.constant 0 : i32
        %dma_start3A_191 = arith.constant 0 : i32
        %dma_start3A_192 = tpu.memref_slice %arg4[%dma_start3A_190, %dma_start3A_191] : memref<10000x128xf32, #tpu.memory_space<hbm>> -> memref<10000x128xf32, #tpu.memory_space<hbm>>
        tpu.enqueue_indirect_dma source(%dma_start3A_192 : memref<10000x128xf32, #tpu.memory_space<hbm>>) target(%arg16 : memref<128x128xf32, #tpu.memory_space<vmem>>) offsets(%arg8 : memref<128xi32, #tpu.memory_space<vmem>>) semaphore(%arg19 : memref<!tpu.dma_semaphore, #tpu.memory_space<semaphore_mem>>)
      } else {
      }
      %add3A_121 = arith.constant 1 : i32
      %add3A_122 = arith.addi %mul3A_102, %add3A_121 : i32
      %dma_wait3A_123 = arith.constant 0 : i32
      %dma_wait3A_124 = arith.constant 0 : i32
      %dma_wait3A_125 = tpu.memref_slice %arg4[%dma_wait3A_123, %dma_wait3A_124] : memref<10000x128xf32, #tpu.memory_space<hbm>> -> memref<10000x128xf32, #tpu.memory_space<hbm>>
      tpu.wait_indirect_dma semaphore(%arg20 : memref<!tpu.dma_semaphore, #tpu.memory_space<semaphore_mem>>) src(%dma_wait3A_125 : memref<10000x128xf32, #tpu.memory_space<hbm>>) dst(%arg17 : memref<128x128xf32, #tpu.memory_space<vmem>>)
      "tpu.region"() ({
        %run_scoped3A_178 = tpu.sem_alloc : memref<!tpu.dma_semaphore, #tpu.memory_space<semaphore_mem>>
        %dma_start3A_179 = arith.constant 0 : i32
        %dma_start3A_180 = arith.constant 0 : i32
        %dma_start3A_181 = tpu.memref_slice %arg18[%dma_start3A_179, %dma_start3A_180] : memref<10000x128xf32, #tpu.memory_space<vmem_shared>> -> memref<10000x128xf32, #tpu.memory_space<vmem_shared>>
        tpu.enqueue_indirect_dma source(%arg17 : memref<128x128xf32, #tpu.memory_space<vmem>>) target(%dma_start3A_181 : memref<10000x128xf32, #tpu.memory_space<vmem_shared>>) offsets(%arg11 : memref<128xi32, #tpu.memory_space<vmem>>) semaphore(%run_scoped3A_178 : memref<!tpu.dma_semaphore, #tpu.memory_space<semaphore_mem>>) {add = true}
        %dma_wait3A_182 = arith.constant 0 : i32
        %dma_wait3A_183 = arith.constant 0 : i32
        %dma_wait3A_184 = tpu.memref_slice %arg18[%dma_wait3A_182, %dma_wait3A_183] : memref<10000x128xf32, #tpu.memory_space<vmem_shared>> -> memref<10000x128xf32, #tpu.memory_space<vmem_shared>>
        tpu.wait_indirect_dma semaphore(%run_scoped3A_178 : memref<!tpu.dma_semaphore, #tpu.memory_space<semaphore_mem>>) src(%arg17 : memref<128x128xf32, #tpu.memory_space<vmem>>) dst(%dma_wait3A_184 : memref<10000x128xf32, #tpu.memory_space<vmem_shared>>)
        tpu.yield
      }) : () -> ()
      %add3A_126 = arith.constant 4 : i32
      %add3A_127 = arith.addi %add3A_122, %add3A_126 : i32
      %lt3A_128 = arith.constant 78 : i32
      %lt3A_129 = arith.cmpi slt, %add3A_127, %lt3A_128 : i32
      %convert_element_type3A_130 = arith.extui %lt3A_129 : i1 to i32
      %cond3A_131 = arith.constant 0 : i32
      %cond3A_132 = arith.cmpi ne, %convert_element_type3A_130, %cond3A_131 : i32
      scf.if %cond3A_132 {
        %add3A_178 = arith.constant 4 : i32
        %add3A_179 = arith.addi %add3A_122, %add3A_178 : i32
        %mul3A_180 = arith.constant 128 : i32
        %mul3A_181 = arith.muli %add3A_179, %mul3A_180 : i32
        %add3A_182 = arith.addi %mul3A_2, %mul3A_181 : i32
        %multiple_of3A_183 = tpu.assume_multiple %add3A_182, 8 : i32
        %dma_start3A_184 = tpu.memref_slice %arg2[%multiple_of3A_183] : memref<320000xi32, #tpu.memory_space<hbm>> -> memref<128xi32, #tpu.memory_space<hbm>>
        %dma_start3A_185 = tpu.memref_slice %arg2[%multiple_of3A_183] : memref<320000xi32, #tpu.memory_space<hbm>> -> memref<128xi32, #tpu.memory_space<hbm>>
        tpu.enqueue_dma source(%dma_start3A_185 : memref<128xi32, #tpu.memory_space<hbm>>) target(%arg7 : memref<128xi32, #tpu.memory_space<vmem>>) target_semaphore(%arg22 : memref<!tpu.dma_semaphore, #tpu.memory_space<semaphore_mem>>)
        %dma_start3A_186 = tpu.memref_slice %arg3[%multiple_of3A_183] : memref<320000xi32, #tpu.memory_space<hbm>> -> memref<128xi32, #tpu.memory_space<hbm>>
        %dma_start3A_187 = tpu.memref_slice %arg3[%multiple_of3A_183] : memref<320000xi32, #tpu.memory_space<hbm>> -> memref<128xi32, #tpu.memory_space<hbm>>
        tpu.enqueue_dma source(%dma_start3A_187 : memref<128xi32, #tpu.memory_space<hbm>>) target(%arg11 : memref<128xi32, #tpu.memory_space<vmem>>) target_semaphore(%arg26 : memref<!tpu.dma_semaphore, #tpu.memory_space<semaphore_mem>>)
      } else {
      }
      %add3A_133 = arith.constant 2 : i32
      %add3A_134 = arith.addi %add3A_122, %add3A_133 : i32
      %lt3A_135 = arith.constant 78 : i32
      %lt3A_136 = arith.cmpi slt, %add3A_134, %lt3A_135 : i32
      %convert_element_type3A_137 = arith.extui %lt3A_136 : i1 to i32
      %cond3A_138 = arith.constant 0 : i32
      %cond3A_139 = arith.cmpi ne, %convert_element_type3A_137, %cond3A_138 : i32
      scf.if %cond3A_139 {
        %add3A_178 = arith.constant 2 : i32
        %add3A_179 = arith.addi %add3A_122, %add3A_178 : i32
        %mul3A_180 = arith.constant 128 : i32
        %mul3A_181 = arith.muli %add3A_179, %mul3A_180 : i32
        %add3A_182 = arith.addi %mul3A_2, %mul3A_181 : i32
        %multiple_of3A_183 = tpu.assume_multiple %add3A_182, 8 : i32
        %dma_wait3A_184 = tpu.memref_slice %arg2[%multiple_of3A_183] : memref<320000xi32, #tpu.memory_space<hbm>> -> memref<128xi32, #tpu.memory_space<hbm>>
        %dma_wait3A_185 = tpu.memref_slice %arg2[%multiple_of3A_183] : memref<320000xi32, #tpu.memory_space<hbm>> -> memref<128xi32, #tpu.memory_space<hbm>>
        tpu.wait_dma2 semaphore(%arg24 : memref<!tpu.dma_semaphore, #tpu.memory_space<semaphore_mem>>) src(%dma_wait3A_185 : memref<128xi32, #tpu.memory_space<hbm>>) dst(%arg9 : memref<128xi32, #tpu.memory_space<vmem>>)
        %dma_wait3A_186 = tpu.memref_slice %arg3[%multiple_of3A_183] : memref<320000xi32, #tpu.memory_space<hbm>> -> memref<128xi32, #tpu.memory_space<hbm>>
        %dma_wait3A_187 = tpu.memref_slice %arg3[%multiple_of3A_183] : memref<320000xi32, #tpu.memory_space<hbm>> -> memref<128xi32, #tpu.memory_space<hbm>>
        tpu.wait_dma2 semaphore(%arg28 : memref<!tpu.dma_semaphore, #tpu.memory_space<semaphore_mem>>) src(%dma_wait3A_187 : memref<128xi32, #tpu.memory_space<hbm>>) dst(%arg13 : memref<128xi32, #tpu.memory_space<vmem>>)
        %add3A_188 = arith.constant 2 : i32
        %add3A_189 = arith.addi %add3A_122, %add3A_188 : i32
        %dma_start3A_190 = arith.constant 0 : i32
        %dma_start3A_191 = arith.constant 0 : i32
        %dma_start3A_192 = tpu.memref_slice %arg4[%dma_start3A_190, %dma_start3A_191] : memref<10000x128xf32, #tpu.memory_space<hbm>> -> memref<10000x128xf32, #tpu.memory_space<hbm>>
        tpu.enqueue_indirect_dma source(%dma_start3A_192 : memref<10000x128xf32, #tpu.memory_space<hbm>>) target(%arg17 : memref<128x128xf32, #tpu.memory_space<vmem>>) offsets(%arg9 : memref<128xi32, #tpu.memory_space<vmem>>) semaphore(%arg20 : memref<!tpu.dma_semaphore, #tpu.memory_space<semaphore_mem>>)
      } else {
      }
      %add3A_140 = arith.constant 2 : i32
      %add3A_141 = arith.addi %mul3A_102, %add3A_140 : i32
      %dma_wait3A_142 = arith.constant 0 : i32
      %dma_wait3A_143 = arith.constant 0 : i32
      %dma_wait3A_144 = tpu.memref_slice %arg4[%dma_wait3A_142, %dma_wait3A_143] : memref<10000x128xf32, #tpu.memory_space<hbm>> -> memref<10000x128xf32, #tpu.memory_space<hbm>>
      tpu.wait_indirect_dma semaphore(%arg19 : memref<!tpu.dma_semaphore, #tpu.memory_space<semaphore_mem>>) src(%dma_wait3A_144 : memref<10000x128xf32, #tpu.memory_space<hbm>>) dst(%arg16 : memref<128x128xf32, #tpu.memory_space<vmem>>)
      "tpu.region"() ({
        %run_scoped3A_178 = tpu.sem_alloc : memref<!tpu.dma_semaphore, #tpu.memory_space<semaphore_mem>>
        %dma_start3A_179 = arith.constant 0 : i32
        %dma_start3A_180 = arith.constant 0 : i32
        %dma_start3A_181 = tpu.memref_slice %arg18[%dma_start3A_179, %dma_start3A_180] : memref<10000x128xf32, #tpu.memory_space<vmem_shared>> -> memref<10000x128xf32, #tpu.memory_space<vmem_shared>>
        tpu.enqueue_indirect_dma source(%arg16 : memref<128x128xf32, #tpu.memory_space<vmem>>) target(%dma_start3A_181 : memref<10000x128xf32, #tpu.memory_space<vmem_shared>>) offsets(%arg12 : memref<128xi32, #tpu.memory_space<vmem>>) semaphore(%run_scoped3A_178 : memref<!tpu.dma_semaphore, #tpu.memory_space<semaphore_mem>>) {add = true}
        %dma_wait3A_182 = arith.constant 0 : i32
        %dma_wait3A_183 = arith.constant 0 : i32
        %dma_wait3A_184 = tpu.memref_slice %arg18[%dma_wait3A_182, %dma_wait3A_183] : memref<10000x128xf32, #tpu.memory_space<vmem_shared>> -> memref<10000x128xf32, #tpu.memory_space<vmem_shared>>
        tpu.wait_indirect_dma semaphore(%run_scoped3A_178 : memref<!tpu.dma_semaphore, #tpu.memory_space<semaphore_mem>>) src(%arg16 : memref<128x128xf32, #tpu.memory_space<vmem>>) dst(%dma_wait3A_184 : memref<10000x128xf32, #tpu.memory_space<vmem_shared>>)
        tpu.yield
      }) : () -> ()
      %add3A_145 = arith.constant 4 : i32
      %add3A_146 = arith.addi %add3A_141, %add3A_145 : i32
      %lt3A_147 = arith.constant 78 : i32
      %lt3A_148 = arith.cmpi slt, %add3A_146, %lt3A_147 : i32
      %convert_element_type3A_149 = arith.extui %lt3A_148 : i1 to i32
      %cond3A_150 = arith.constant 0 : i32
      %cond3A_151 = arith.cmpi ne, %convert_element_type3A_149, %cond3A_150 : i32
      scf.if %cond3A_151 {
        %add3A_178 = arith.constant 4 : i32
        %add3A_179 = arith.addi %add3A_141, %add3A_178 : i32
        %mul3A_180 = arith.constant 128 : i32
        %mul3A_181 = arith.muli %add3A_179, %mul3A_180 : i32
        %add3A_182 = arith.addi %mul3A_2, %mul3A_181 : i32
        %multiple_of3A_183 = tpu.assume_multiple %add3A_182, 8 : i32
        %dma_start3A_184 = tpu.memref_slice %arg2[%multiple_of3A_183] : memref<320000xi32, #tpu.memory_space<hbm>> -> memref<128xi32, #tpu.memory_space<hbm>>
        %dma_start3A_185 = tpu.memref_slice %arg2[%multiple_of3A_183] : memref<320000xi32, #tpu.memory_space<hbm>> -> memref<128xi32, #tpu.memory_space<hbm>>
        tpu.enqueue_dma source(%dma_start3A_185 : memref<128xi32, #tpu.memory_space<hbm>>) target(%arg8 : memref<128xi32, #tpu.memory_space<vmem>>) target_semaphore(%arg23 : memref<!tpu.dma_semaphore, #tpu.memory_space<semaphore_mem>>)
        %dma_start3A_186 = tpu.memref_slice %arg3[%multiple_of3A_183] : memref<320000xi32, #tpu.memory_space<hbm>> -> memref<128xi32, #tpu.memory_space<hbm>>
        %dma_start3A_187 = tpu.memref_slice %arg3[%multiple_of3A_183] : memref<320000xi32, #tpu.memory_space<hbm>> -> memref<128xi32, #tpu.memory_space<hbm>>
        tpu.enqueue_dma source(%dma_start3A_187 : memref<128xi32, #tpu.memory_space<hbm>>) target(%arg12 : memref<128xi32, #tpu.memory_space<vmem>>) target_semaphore(%arg27 : memref<!tpu.dma_semaphore, #tpu.memory_space<semaphore_mem>>)
      } else {
      }
      %add3A_152 = arith.constant 2 : i32
      %add3A_153 = arith.addi %add3A_141, %add3A_152 : i32
      %lt3A_154 = arith.constant 78 : i32
      %lt3A_155 = arith.cmpi slt, %add3A_153, %lt3A_154 : i32
      %convert_element_type3A_156 = arith.extui %lt3A_155 : i1 to i32
      %cond3A_157 = arith.constant 0 : i32
      %cond3A_158 = arith.cmpi ne, %convert_element_type3A_156, %cond3A_157 : i32
      scf.if %cond3A_158 {
        %add3A_178 = arith.constant 2 : i32
        %add3A_179 = arith.addi %add3A_141, %add3A_178 : i32
        %mul3A_180 = arith.constant 128 : i32
        %mul3A_181 = arith.muli %add3A_179, %mul3A_180 : i32
        %add3A_182 = arith.addi %mul3A_2, %mul3A_181 : i32
        %multiple_of3A_183 = tpu.assume_multiple %add3A_182, 8 : i32
        %dma_wait3A_184 = tpu.memref_slice %arg2[%multiple_of3A_183] : memref<320000xi32, #tpu.memory_space<hbm>> -> memref<128xi32, #tpu.memory_space<hbm>>
        %dma_wait3A_185 = tpu.memref_slice %arg2[%multiple_of3A_183] : memref<320000xi32, #tpu.memory_space<hbm>> -> memref<128xi32, #tpu.memory_space<hbm>>
        tpu.wait_dma2 semaphore(%arg21 : memref<!tpu.dma_semaphore, #tpu.memory_space<semaphore_mem>>) src(%dma_wait3A_185 : memref<128xi32, #tpu.memory_space<hbm>>) dst(%arg6 : memref<128xi32, #tpu.memory_space<vmem>>)
        %dma_wait3A_186 = tpu.memref_slice %arg3[%multiple_of3A_183] : memref<320000xi32, #tpu.memory_space<hbm>> -> memref<128xi32, #tpu.memory_space<hbm>>
        %dma_wait3A_187 = tpu.memref_slice %arg3[%multiple_of3A_183] : memref<320000xi32, #tpu.memory_space<hbm>> -> memref<128xi32, #tpu.memory_space<hbm>>
        tpu.wait_dma2 semaphore(%arg25 : memref<!tpu.dma_semaphore, #tpu.memory_space<semaphore_mem>>) src(%dma_wait3A_187 : memref<128xi32, #tpu.memory_space<hbm>>) dst(%arg10 : memref<128xi32, #tpu.memory_space<vmem>>)
        %add3A_188 = arith.constant 2 : i32
        %add3A_189 = arith.addi %add3A_141, %add3A_188 : i32
        %dma_start3A_190 = arith.constant 0 : i32
        %dma_start3A_191 = arith.constant 0 : i32
        %dma_start3A_192 = tpu.memref_slice %arg4[%dma_start3A_190, %dma_start3A_191] : memref<10000x128xf32, #tpu.memory_space<hbm>> -> memref<10000x128xf32, #tpu.memory_space<hbm>>
        tpu.enqueue_indirect_dma source(%dma_start3A_192 : memref<10000x128xf32, #tpu.memory_space<hbm>>) target(%arg16 : memref<128x128xf32, #tpu.memory_space<vmem>>) offsets(%arg6 : memref<128xi32, #tpu.memory_space<vmem>>) semaphore(%arg19 : memref<!tpu.dma_semaphore, #tpu.memory_space<semaphore_mem>>)
      } else {
      }
      %add3A_159 = arith.constant 3 : i32
      %add3A_160 = arith.addi %mul3A_102, %add3A_159 : i32
      %dma_wait3A_161 = arith.constant 0 : i32
      %dma_wait3A_162 = arith.constant 0 : i32
      %dma_wait3A_163 = tpu.memref_slice %arg4[%dma_wait3A_161, %dma_wait3A_162] : memref<10000x128xf32, #tpu.memory_space<hbm>> -> memref<10000x128xf32, #tpu.memory_space<hbm>>
      tpu.wait_indirect_dma semaphore(%arg20 : memref<!tpu.dma_semaphore, #tpu.memory_space<semaphore_mem>>) src(%dma_wait3A_163 : memref<10000x128xf32, #tpu.memory_space<hbm>>) dst(%arg17 : memref<128x128xf32, #tpu.memory_space<vmem>>)
      "tpu.region"() ({
        %run_scoped3A_178 = tpu.sem_alloc : memref<!tpu.dma_semaphore, #tpu.memory_space<semaphore_mem>>
        %dma_start3A_179 = arith.constant 0 : i32
        %dma_start3A_180 = arith.constant 0 : i32
        %dma_start3A_181 = tpu.memref_slice %arg18[%dma_start3A_179, %dma_start3A_180] : memref<10000x128xf32, #tpu.memory_space<vmem_shared>> -> memref<10000x128xf32, #tpu.memory_space<vmem_shared>>
        tpu.enqueue_indirect_dma source(%arg17 : memref<128x128xf32, #tpu.memory_space<vmem>>) target(%dma_start3A_181 : memref<10000x128xf32, #tpu.memory_space<vmem_shared>>) offsets(%arg13 : memref<128xi32, #tpu.memory_space<vmem>>) semaphore(%run_scoped3A_178 : memref<!tpu.dma_semaphore, #tpu.memory_space<semaphore_mem>>) {add = true}
        %dma_wait3A_182 = arith.constant 0 : i32
        %dma_wait3A_183 = arith.constant 0 : i32
        %dma_wait3A_184 = tpu.memref_slice %arg18[%dma_wait3A_182, %dma_wait3A_183] : memref<10000x128xf32, #tpu.memory_space<vmem_shared>> -> memref<10000x128xf32, #tpu.memory_space<vmem_shared>>
        tpu.wait_indirect_dma semaphore(%run_scoped3A_178 : memref<!tpu.dma_semaphore, #tpu.memory_space<semaphore_mem>>) src(%arg17 : memref<128x128xf32, #tpu.memory_space<vmem>>) dst(%dma_wait3A_184 : memref<10000x128xf32, #tpu.memory_space<vmem_shared>>)
        tpu.yield
      }) : () -> ()
      %add3A_164 = arith.constant 4 : i32
      %add3A_165 = arith.addi %add3A_160, %add3A_164 : i32
      %lt3A_166 = arith.constant 78 : i32
      %lt3A_167 = arith.cmpi slt, %add3A_165, %lt3A_166 : i32
      %convert_element_type3A_168 = arith.extui %lt3A_167 : i1 to i32
      %cond3A_169 = arith.constant 0 : i32
      %cond3A_170 = arith.cmpi ne, %convert_element_type3A_168, %cond3A_169 : i32
      scf.if %cond3A_170 {
        %add3A_178 = arith.constant 4 : i32
        %add3A_179 = arith.addi %add3A_160, %add3A_178 : i32
        %mul3A_180 = arith.constant 128 : i32
        %mul3A_181 = arith.muli %add3A_179, %mul3A_180 : i32
        %add3A_182 = arith.addi %mul3A_2, %mul3A_181 : i32
        %multiple_of3A_183 = tpu.assume_multiple %add3A_182, 8 : i32
        %dma_start3A_184 = tpu.memref_slice %arg2[%multiple_of3A_183] : memref<320000xi32, #tpu.memory_space<hbm>> -> memref<128xi32, #tpu.memory_space<hbm>>
        %dma_start3A_185 = tpu.memref_slice %arg2[%multiple_of3A_183] : memref<320000xi32, #tpu.memory_space<hbm>> -> memref<128xi32, #tpu.memory_space<hbm>>
        tpu.enqueue_dma source(%dma_start3A_185 : memref<128xi32, #tpu.memory_space<hbm>>) target(%arg9 : memref<128xi32, #tpu.memory_space<vmem>>) target_semaphore(%arg24 : memref<!tpu.dma_semaphore, #tpu.memory_space<semaphore_mem>>)
        %dma_start3A_186 = tpu.memref_slice %arg3[%multiple_of3A_183] : memref<320000xi32, #tpu.memory_space<hbm>> -> memref<128xi32, #tpu.memory_space<hbm>>
        %dma_start3A_187 = tpu.memref_slice %arg3[%multiple_of3A_183] : memref<320000xi32, #tpu.memory_space<hbm>> -> memref<128xi32, #tpu.memory_space<hbm>>
        tpu.enqueue_dma source(%dma_start3A_187 : memref<128xi32, #tpu.memory_space<hbm>>) target(%arg13 : memref<128xi32, #tpu.memory_space<vmem>>) target_semaphore(%arg28 : memref<!tpu.dma_semaphore, #tpu.memory_space<semaphore_mem>>)
      } else {
      }
      %add3A_171 = arith.constant 2 : i32
      %add3A_172 = arith.addi %add3A_160, %add3A_171 : i32
      %lt3A_173 = arith.constant 78 : i32
      %lt3A_174 = arith.cmpi slt, %add3A_172, %lt3A_173 : i32
      %convert_element_type3A_175 = arith.extui %lt3A_174 : i1 to i32
      %cond3A_176 = arith.constant 0 : i32
      %cond3A_177 = arith.cmpi ne, %convert_element_type3A_175, %cond3A_176 : i32
      scf.if %cond3A_177 {
        %add3A_178 = arith.constant 2 : i32
        %add3A_179 = arith.addi %add3A_160, %add3A_178 : i32
        %mul3A_180 = arith.constant 128 : i32
        %mul3A_181 = arith.muli %add3A_179, %mul3A_180 : i32
        %add3A_182 = arith.addi %mul3A_2, %mul3A_181 : i32
        %multiple_of3A_183 = tpu.assume_multiple %add3A_182, 8 : i32
        %dma_wait3A_184 = tpu.memref_slice %arg2[%multiple_of3A_183] : memref<320000xi32, #tpu.memory_space<hbm>> -> memref<128xi32, #tpu.memory_space<hbm>>
        %dma_wait3A_185 = tpu.memref_slice %arg2[%multiple_of3A_183] : memref<320000xi32, #tpu.memory_space<hbm>> -> memref<128xi32, #tpu.memory_space<hbm>>
        tpu.wait_dma2 semaphore(%arg22 : memref<!tpu.dma_semaphore, #tpu.memory_space<semaphore_mem>>) src(%dma_wait3A_185 : memref<128xi32, #tpu.memory_space<hbm>>) dst(%arg7 : memref<128xi32, #tpu.memory_space<vmem>>)
        %dma_wait3A_186 = tpu.memref_slice %arg3[%multiple_of3A_183] : memref<320000xi32, #tpu.memory_space<hbm>> -> memref<128xi32, #tpu.memory_space<hbm>>
        %dma_wait3A_187 = tpu.memref_slice %arg3[%multiple_of3A_183] : memref<320000xi32, #tpu.memory_space<hbm>> -> memref<128xi32, #tpu.memory_space<hbm>>
        tpu.wait_dma2 semaphore(%arg26 : memref<!tpu.dma_semaphore, #tpu.memory_space<semaphore_mem>>) src(%dma_wait3A_187 : memref<128xi32, #tpu.memory_space<hbm>>) dst(%arg11 : memref<128xi32, #tpu.memory_space<vmem>>)
        %add3A_188 = arith.constant 2 : i32
        %add3A_189 = arith.addi %add3A_160, %add3A_188 : i32
        %dma_start3A_190 = arith.constant 0 : i32
        %dma_start3A_191 = arith.constant 0 : i32
        %dma_start3A_192 = tpu.memref_slice %arg4[%dma_start3A_190, %dma_start3A_191] : memref<10000x128xf32, #tpu.memory_space<hbm>> -> memref<10000x128xf32, #tpu.memory_space<hbm>>
        tpu.enqueue_indirect_dma source(%dma_start3A_192 : memref<10000x128xf32, #tpu.memory_space<hbm>>) target(%arg17 : memref<128x128xf32, #tpu.memory_space<vmem>>) offsets(%arg7 : memref<128xi32, #tpu.memory_space<vmem>>) semaphore(%arg20 : memref<!tpu.dma_semaphore, #tpu.memory_space<semaphore_mem>>)
      } else {
      }
    }
    %scan3A_72 = arith.constant 19 : i32
    %dma_wait3A_73 = arith.constant 0 : i32
    %dma_wait3A_74 = arith.constant 0 : i32
    %dma_wait3A_75 = tpu.memref_slice %arg4[%dma_wait3A_73, %dma_wait3A_74] : memref<10000x128xf32, #tpu.memory_space<hbm>> -> memref<10000x128xf32, #tpu.memory_space<hbm>>
    tpu.wait_indirect_dma semaphore(%arg19 : memref<!tpu.dma_semaphore, #tpu.memory_space<semaphore_mem>>) src(%dma_wait3A_75 : memref<10000x128xf32, #tpu.memory_space<hbm>>) dst(%arg16 : memref<128x128xf32, #tpu.memory_space<vmem>>)
    "tpu.region"() ({
      %run_scoped3A_100 = tpu.sem_alloc : memref<!tpu.dma_semaphore, #tpu.memory_space<semaphore_mem>>
      %dma_start3A_101 = arith.constant 0 : i32
      %dma_start3A_102 = arith.constant 0 : i32
      %dma_start3A_103 = tpu.memref_slice %arg18[%dma_start3A_101, %dma_start3A_102] : memref<10000x128xf32, #tpu.memory_space<vmem_shared>> -> memref<10000x128xf32, #tpu.memory_space<vmem_shared>>
      tpu.enqueue_indirect_dma source(%arg16 : memref<128x128xf32, #tpu.memory_space<vmem>>) target(%dma_start3A_103 : memref<10000x128xf32, #tpu.memory_space<vmem_shared>>) offsets(%arg10 : memref<128xi32, #tpu.memory_space<vmem>>) semaphore(%run_scoped3A_100 : memref<!tpu.dma_semaphore, #tpu.memory_space<semaphore_mem>>) {add = true}
      %dma_wait3A_104 = arith.constant 0 : i32
      %dma_wait3A_105 = arith.constant 0 : i32
      %dma_wait3A_106 = tpu.memref_slice %arg18[%dma_wait3A_104, %dma_wait3A_105] : memref<10000x128xf32, #tpu.memory_space<vmem_shared>> -> memref<10000x128xf32, #tpu.memory_space<vmem_shared>>
      tpu.wait_indirect_dma semaphore(%run_scoped3A_100 : memref<!tpu.dma_semaphore, #tpu.memory_space<semaphore_mem>>) src(%arg16 : memref<128x128xf32, #tpu.memory_space<vmem>>) dst(%dma_wait3A_106 : memref<10000x128xf32, #tpu.memory_space<vmem_shared>>)
      tpu.yield
    }) : () -> ()
    %dma_wait3A_76 = arith.constant 0 : i32
    %dma_wait3A_77 = arith.constant 0 : i32
    %dma_wait3A_78 = tpu.memref_slice %arg4[%dma_wait3A_76, %dma_wait3A_77] : memref<10000x128xf32, #tpu.memory_space<hbm>> -> memref<10000x128xf32, #tpu.memory_space<hbm>>
    tpu.wait_indirect_dma semaphore(%arg20 : memref<!tpu.dma_semaphore, #tpu.memory_space<semaphore_mem>>) src(%dma_wait3A_78 : memref<10000x128xf32, #tpu.memory_space<hbm>>) dst(%arg17 : memref<128x128xf32, #tpu.memory_space<vmem>>)
    "tpu.region"() ({
      %run_scoped3A_100 = tpu.sem_alloc : memref<!tpu.dma_semaphore, #tpu.memory_space<semaphore_mem>>
      %dma_start3A_101 = arith.constant 0 : i32
      %dma_start3A_102 = arith.constant 0 : i32
      %dma_start3A_103 = tpu.memref_slice %arg18[%dma_start3A_101, %dma_start3A_102] : memref<10000x128xf32, #tpu.memory_space<vmem_shared>> -> memref<10000x128xf32, #tpu.memory_space<vmem_shared>>
      tpu.enqueue_indirect_dma source(%arg17 : memref<128x128xf32, #tpu.memory_space<vmem>>) target(%dma_start3A_103 : memref<10000x128xf32, #tpu.memory_space<vmem_shared>>) offsets(%arg11 : memref<128xi32, #tpu.memory_space<vmem>>) semaphore(%run_scoped3A_100 : memref<!tpu.dma_semaphore, #tpu.memory_space<semaphore_mem>>) {add = true}
      %dma_wait3A_104 = arith.constant 0 : i32
      %dma_wait3A_105 = arith.constant 0 : i32
      %dma_wait3A_106 = tpu.memref_slice %arg18[%dma_wait3A_104, %dma_wait3A_105] : memref<10000x128xf32, #tpu.memory_space<vmem_shared>> -> memref<10000x128xf32, #tpu.memory_space<vmem_shared>>
      tpu.wait_indirect_dma semaphore(%run_scoped3A_100 : memref<!tpu.dma_semaphore, #tpu.memory_space<semaphore_mem>>) src(%arg17 : memref<128x128xf32, #tpu.memory_space<vmem>>) dst(%dma_wait3A_106 : memref<10000x128xf32, #tpu.memory_space<vmem_shared>>)
      tpu.yield
    }) : () -> ()
    %add3A_79 = arith.constant 9984 : i32
    %add3A_80 = arith.addi %mul3A_2, %add3A_79 : i32
    %multiple_of3A_81 = tpu.assume_multiple %add3A_80, 8 : i32
    "tpu.region"() ({
      %run_scoped3A_100 = tpu.sem_alloc : memref<!tpu.dma_semaphore, #tpu.memory_space<semaphore_mem>>
      %dma_start3A_101 = tpu.memref_slice %arg2[%multiple_of3A_81] : memref<320000xi32, #tpu.memory_space<hbm>> -> memref<16xi32, #tpu.memory_space<hbm>>
      %dma_start3A_102 = tpu.memref_slice %arg2[%multiple_of3A_81] : memref<320000xi32, #tpu.memory_space<hbm>> -> memref<16xi32, #tpu.memory_space<hbm>>
      tpu.enqueue_dma source(%dma_start3A_102 : memref<16xi32, #tpu.memory_space<hbm>>) target(%arg14 : memref<16xi32, #tpu.memory_space<vmem>>) target_semaphore(%run_scoped3A_100 : memref<!tpu.dma_semaphore, #tpu.memory_space<semaphore_mem>>)
      %dma_wait3A_103 = tpu.memref_slice %arg2[%multiple_of3A_81] : memref<320000xi32, #tpu.memory_space<hbm>> -> memref<16xi32, #tpu.memory_space<hbm>>
      %dma_wait3A_104 = tpu.memref_slice %arg2[%multiple_of3A_81] : memref<320000xi32, #tpu.memory_space<hbm>> -> memref<16xi32, #tpu.memory_space<hbm>>
      tpu.wait_dma2 semaphore(%run_scoped3A_100 : memref<!tpu.dma_semaphore, #tpu.memory_space<semaphore_mem>>) src(%dma_wait3A_104 : memref<16xi32, #tpu.memory_space<hbm>>) dst(%arg14 : memref<16xi32, #tpu.memory_space<vmem>>)
      tpu.yield
    }) : () -> ()
    "tpu.region"() ({
      %run_scoped3A_100 = tpu.sem_alloc : memref<!tpu.dma_semaphore, #tpu.memory_space<semaphore_mem>>
      %dma_start3A_101 = tpu.memref_slice %arg3[%multiple_of3A_81] : memref<320000xi32, #tpu.memory_space<hbm>> -> memref<16xi32, #tpu.memory_space<hbm>>
      %dma_start3A_102 = tpu.memref_slice %arg3[%multiple_of3A_81] : memref<320000xi32, #tpu.memory_space<hbm>> -> memref<16xi32, #tpu.memory_space<hbm>>
      tpu.enqueue_dma source(%dma_start3A_102 : memref<16xi32, #tpu.memory_space<hbm>>) target(%arg15 : memref<16xi32, #tpu.memory_space<vmem>>) target_semaphore(%run_scoped3A_100 : memref<!tpu.dma_semaphore, #tpu.memory_space<semaphore_mem>>)
      %dma_wait3A_103 = tpu.memref_slice %arg3[%multiple_of3A_81] : memref<320000xi32, #tpu.memory_space<hbm>> -> memref<16xi32, #tpu.memory_space<hbm>>
      %dma_wait3A_104 = tpu.memref_slice %arg3[%multiple_of3A_81] : memref<320000xi32, #tpu.memory_space<hbm>> -> memref<16xi32, #tpu.memory_space<hbm>>
      tpu.wait_dma2 semaphore(%run_scoped3A_100 : memref<!tpu.dma_semaphore, #tpu.memory_space<semaphore_mem>>) src(%dma_wait3A_104 : memref<16xi32, #tpu.memory_space<hbm>>) dst(%arg15 : memref<16xi32, #tpu.memory_space<vmem>>)
      tpu.yield
    }) : () -> ()
    %dma_start3A_82 = arith.constant 0 : i32
    %dma_start3A_83 = arith.constant 0 : i32
    %dma_start3A_84 = tpu.memref_slice %arg16[%dma_start3A_82, %dma_start3A_83] : memref<128x128xf32, #tpu.memory_space<vmem>> -> memref<16x128xf32, #tpu.memory_space<vmem>>
    %dma_start3A_85 = arith.constant 0 : i32
    %dma_start3A_86 = arith.constant 0 : i32
    %dma_start3A_87 = tpu.memref_slice %arg4[%dma_start3A_85, %dma_start3A_86] : memref<10000x128xf32, #tpu.memory_space<hbm>> -> memref<10000x128xf32, #tpu.memory_space<hbm>>
    tpu.enqueue_indirect_dma source(%dma_start3A_87 : memref<10000x128xf32, #tpu.memory_space<hbm>>) target(%dma_start3A_84 : memref<16x128xf32, #tpu.memory_space<vmem>>) offsets(%arg14 : memref<16xi32, #tpu.memory_space<vmem>>) semaphore(%arg19 : memref<!tpu.dma_semaphore, #tpu.memory_space<semaphore_mem>>)
    %dma_wait3A_88 = arith.constant 0 : i32
    %dma_wait3A_89 = arith.constant 0 : i32
    %dma_wait3A_90 = tpu.memref_slice %arg16[%dma_wait3A_88, %dma_wait3A_89] : memref<128x128xf32, #tpu.memory_space<vmem>> -> memref<16x128xf32, #tpu.memory_space<vmem>>
    %dma_wait3A_91 = arith.constant 0 : i32
    %dma_wait3A_92 = arith.constant 0 : i32
    %dma_wait3A_93 = tpu.memref_slice %arg4[%dma_wait3A_91, %dma_wait3A_92] : memref<10000x128xf32, #tpu.memory_space<hbm>> -> memref<10000x128xf32, #tpu.memory_space<hbm>>
    tpu.wait_indirect_dma semaphore(%arg19 : memref<!tpu.dma_semaphore, #tpu.memory_space<semaphore_mem>>) src(%dma_wait3A_93 : memref<10000x128xf32, #tpu.memory_space<hbm>>) dst(%dma_wait3A_90 : memref<16x128xf32, #tpu.memory_space<vmem>>)
    "tpu.region"() ({
      %run_scoped3A_100 = tpu.sem_alloc : memref<!tpu.dma_semaphore, #tpu.memory_space<semaphore_mem>>
      %dma_start3A_101 = arith.constant 0 : i32
      %dma_start3A_102 = arith.constant 0 : i32
      %dma_start3A_103 = tpu.memref_slice %arg16[%dma_start3A_101, %dma_start3A_102] : memref<128x128xf32, #tpu.memory_space<vmem>> -> memref<16x128xf32, #tpu.memory_space<vmem>>
      %dma_start3A_104 = arith.constant 0 : i32
      %dma_start3A_105 = arith.constant 0 : i32
      %dma_start3A_106 = tpu.memref_slice %arg18[%dma_start3A_104, %dma_start3A_105] : memref<10000x128xf32, #tpu.memory_space<vmem_shared>> -> memref<10000x128xf32, #tpu.memory_space<vmem_shared>>
      tpu.enqueue_indirect_dma source(%dma_start3A_103 : memref<16x128xf32, #tpu.memory_space<vmem>>) target(%dma_start3A_106 : memref<10000x128xf32, #tpu.memory_space<vmem_shared>>) offsets(%arg15 : memref<16xi32, #tpu.memory_space<vmem>>) semaphore(%run_scoped3A_100 : memref<!tpu.dma_semaphore, #tpu.memory_space<semaphore_mem>>) {add = true}
      %dma_wait3A_107 = arith.constant 0 : i32
      %dma_wait3A_108 = arith.constant 0 : i32
      %dma_wait3A_109 = tpu.memref_slice %arg16[%dma_wait3A_107, %dma_wait3A_108] : memref<128x128xf32, #tpu.memory_space<vmem>> -> memref<16x128xf32, #tpu.memory_space<vmem>>
      %dma_wait3A_110 = arith.constant 0 : i32
      %dma_wait3A_111 = arith.constant 0 : i32
      %dma_wait3A_112 = tpu.memref_slice %arg18[%dma_wait3A_110, %dma_wait3A_111] : memref<10000x128xf32, #tpu.memory_space<vmem_shared>> -> memref<10000x128xf32, #tpu.memory_space<vmem_shared>>
      tpu.wait_indirect_dma semaphore(%run_scoped3A_100 : memref<!tpu.dma_semaphore, #tpu.memory_space<semaphore_mem>>) src(%dma_wait3A_109 : memref<16x128xf32, #tpu.memory_space<vmem>>) dst(%dma_wait3A_112 : memref<10000x128xf32, #tpu.memory_space<vmem_shared>>)
      tpu.yield
    }) : () -> ()
    %barrier3A_94 = arith.constant 0 : index
    tpu.barrier barrier_id(%barrier3A_94)
    %run_scoped3A = arith.constant 77 : i32
    "tpu.region"() ({
      %run_scoped3A_100 = tpu.sem_alloc : memref<!tpu.dma_semaphore, #tpu.memory_space<semaphore_mem>>
      %dma_start3A_101 = arith.constant 0 : i32
      %dma_start3A_102 = tpu.memref_slice %arg5[%run_scoped3A, %multiple_of3A, %dma_start3A_101] : memref<2x10000x128xf32, #tpu.memory_space<hbm>> -> memref<1x624x128xf32, #tpu.memory_space<hbm>>
      %dma_start3A_103 = tpu.memref_squeeze %dma_start3A_102 : memref<1x624x128xf32, #tpu.memory_space<hbm>> -> memref<624x128xf32, #tpu.memory_space<hbm>>
      %dma_start3A_104 = arith.constant 0 : i32
      %dma_start3A_105 = tpu.memref_slice %arg18[%multiple_of3A, %dma_start3A_104] : memref<10000x128xf32, #tpu.memory_space<vmem_shared>> -> memref<624x128xf32, #tpu.memory_space<vmem_shared>>
      tpu.enqueue_dma source(%dma_start3A_105 : memref<624x128xf32, #tpu.memory_space<vmem_shared>>) target(%dma_start3A_103 : memref<624x128xf32, #tpu.memory_space<hbm>>) target_semaphore(%run_scoped3A_100 : memref<!tpu.dma_semaphore, #tpu.memory_space<semaphore_mem>>)
      %dma_wait3A_106 = arith.constant 0 : i32
      %dma_wait3A_107 = tpu.memref_slice %arg5[%run_scoped3A, %multiple_of3A, %dma_wait3A_106] : memref<2x10000x128xf32, #tpu.memory_space<hbm>> -> memref<1x624x128xf32, #tpu.memory_space<hbm>>
      %dma_wait3A_108 = tpu.memref_squeeze %dma_wait3A_107 : memref<1x624x128xf32, #tpu.memory_space<hbm>> -> memref<624x128xf32, #tpu.memory_space<hbm>>
      %dma_wait3A_109 = arith.constant 0 : i32
      %dma_wait3A_110 = tpu.memref_slice %arg18[%multiple_of3A, %dma_wait3A_109] : memref<10000x128xf32, #tpu.memory_space<vmem_shared>> -> memref<624x128xf32, #tpu.memory_space<vmem_shared>>
      tpu.wait_dma2 semaphore(%run_scoped3A_100 : memref<!tpu.dma_semaphore, #tpu.memory_space<semaphore_mem>>) src(%dma_wait3A_110 : memref<624x128xf32, #tpu.memory_space<vmem_shared>>) dst(%dma_wait3A_108 : memref<624x128xf32, #tpu.memory_space<hbm>>)
      tpu.yield
    }) : () -> ()
    %eq3A_95 = arith.constant 15 : i32
    %eq3A_96 = arith.cmpi eq, %arg1, %eq3A_95 : i32
    %convert_element_type3A_97 = arith.extui %eq3A_96 : i1 to i32
    %cond3A_98 = arith.constant 0 : i32
    %cond3A_99 = arith.cmpi ne, %convert_element_type3A_97, %cond3A_98 : i32
    scf.if %cond3A_99 {
      %run_scoped3A_100 = arith.constant 77 : i32
      "tpu.region"() ({
        %run_scoped3A_101 = tpu.sem_alloc : memref<!tpu.dma_semaphore, #tpu.memory_space<semaphore_mem>>
        %dma_start3A_102 = arith.constant 9984 : i32
        %dma_start3A_103 = arith.constant 0 : i32
        %dma_start3A_104 = tpu.memref_slice %arg5[%run_scoped3A_100, %dma_start3A_102, %dma_start3A_103] : memref<2x10000x128xf32, #tpu.memory_space<hbm>> -> memref<1x16x128xf32, #tpu.memory_space<hbm>>
        %dma_start3A_105 = tpu.memref_squeeze %dma_start3A_104 : memref<1x16x128xf32, #tpu.memory_space<hbm>> -> memref<16x128xf32, #tpu.memory_space<hbm>>
        %dma_start3A_106 = arith.constant 9984 : i32
        %dma_start3A_107 = arith.constant 0 : i32
        %dma_start3A_108 = tpu.memref_slice %arg18[%dma_start3A_106, %dma_start3A_107] : memref<10000x128xf32, #tpu.memory_space<vmem_shared>> -> memref<16x128xf32, #tpu.memory_space<vmem_shared>>
        tpu.enqueue_dma source(%dma_start3A_108 : memref<16x128xf32, #tpu.memory_space<vmem_shared>>) target(%dma_start3A_105 : memref<16x128xf32, #tpu.memory_space<hbm>>) target_semaphore(%run_scoped3A_101 : memref<!tpu.dma_semaphore, #tpu.memory_space<semaphore_mem>>)
        %dma_wait3A_109 = arith.constant 9984 : i32
        %dma_wait3A_110 = arith.constant 0 : i32
        %dma_wait3A_111 = tpu.memref_slice %arg5[%run_scoped3A_100, %dma_wait3A_109, %dma_wait3A_110] : memref<2x10000x128xf32, #tpu.memory_space<hbm>> -> memref<1x16x128xf32, #tpu.memory_space<hbm>>
        %dma_wait3A_112 = tpu.memref_squeeze %dma_wait3A_111 : memref<1x16x128xf32, #tpu.memory_space<hbm>> -> memref<16x128xf32, #tpu.memory_space<hbm>>
        %dma_wait3A_113 = arith.constant 9984 : i32
        %dma_wait3A_114 = arith.constant 0 : i32
        %dma_wait3A_115 = tpu.memref_slice %arg18[%dma_wait3A_113, %dma_wait3A_114] : memref<10000x128xf32, #tpu.memory_space<vmem_shared>> -> memref<16x128xf32, #tpu.memory_space<vmem_shared>>
        tpu.wait_dma2 semaphore(%run_scoped3A_101 : memref<!tpu.dma_semaphore, #tpu.memory_space<semaphore_mem>>) src(%dma_wait3A_115 : memref<16x128xf32, #tpu.memory_space<vmem_shared>>) dst(%dma_wait3A_112 : memref<16x128xf32, #tpu.memory_space<hbm>>)
        tpu.yield
      }) : () -> ()
    } else {
    }
    return
  }
}

module attributes {stable_mosaic.version = 14 : i64} {
  func.func @_g_body(%arg0: i32, %arg1: memref<2000x128xf32, #tpu.memory_space<vmem>>, %arg2: memref<128x128xf32, #tpu.memory_space<vmem>>, %arg3: memref<2x2000x16xf32, #tpu.memory_space<vmem>>, %arg4: memref<2000x128xf32, #tpu.memory_space<vmem>>) attributes {dimension_semantics = [#tpu.dimension_semantics<arbitrary>], iteration_bounds = array<i64: 5>, scalar_prefetch = 0 : i64, scratch_operands = 0 : i64, tpu.core_type = #tpu.core_type<tc>, window_params = [{transform_indices = @transform_0, window_bounds = array<i64: 2000, 128>}, {pipeline_mode = #tpu.pipeline_mode<synchronous>, transform_indices = @transform_1, window_bounds = array<i64: 128, 128>}, {transform_indices = @transform_2, window_bounds = array<i64: 2, 2000, 16>}, {transform_indices = @transform_3, window_bounds = array<i64: 2000, 128>}]} {
    %get3A = arith.constant 0 : index
    %get3A_0 = arith.constant 0 : index
    %get3A_1 = arith.constant 0 : index
    %get3A_2 = vector.load %arg3[%get3A, %get3A_0, %get3A_1] : memref<2x2000x16xf32, #tpu.memory_space<vmem>>, vector<1x2000x16xf32>
    %get3A_3 = vector.shape_cast %get3A_2 : vector<1x2000x16xf32> to vector<2000x16xf32>
    %get3A_4 = arith.constant 1 : index
    %get3A_5 = arith.constant 0 : index
    %get3A_6 = arith.constant 0 : index
    %get3A_7 = vector.load %arg3[%get3A_4, %get3A_5, %get3A_6] : memref<2x2000x16xf32, #tpu.memory_space<vmem>>, vector<1x2000x16xf32>
    %get3A_8 = vector.shape_cast %get3A_7 : vector<1x2000x16xf32> to vector<2000x16xf32>
    %add3A = arith.addf %get3A_3, %get3A_8 : vector<2000x16xf32>
    %slice3A = vector.extract_strided_slice %add3A {offsets = [0, 0], sizes = [2000, 1], strides = [1, 1]} : vector<2000x16xf32> to vector<2000x1xf32>
    %add3A_9 = arith.constant 1.000000e+00 : f32
    %add3A_10 = vector.broadcast %add3A_9 : f32 to vector<2000x1xf32>
    %add3A_11 = arith.addf %slice3A, %add3A_10 : vector<2000x1xf32>
    %rsqrt3A = math.rsqrt %add3A_11 : vector<2000x1xf32>
    %get3A_12 = arith.constant 0 : index
    %get3A_13 = arith.constant 0 : index
    %get3A_14 = vector.load %arg1[%get3A_12, %get3A_13] : memref<2000x128xf32, #tpu.memory_space<vmem>>, vector<2000x128xf32>
    %mul3A = vector.broadcast %rsqrt3A : vector<2000x1xf32> to vector<2000x128xf32>
    %mul3A_15 = arith.mulf %get3A_14, %mul3A : vector<2000x128xf32>
    %get3A_16 = arith.constant 0 : index
    %get3A_17 = arith.constant 0 : index
    %get3A_18 = vector.load %arg2[%get3A_16, %get3A_17] : memref<128x128xf32, #tpu.memory_space<vmem>>, vector<128x128xf32>
    %dot_general3A = arith.constant dense<0.000000e+00> : vector<2000x128xf32>
    %dot_general3A_19 = tpu.matmul %mul3A_15, %get3A_18, %dot_general3A {dimension_numbers = #tpu.dot_dimension_numbers<[1], [0], [0], [1], [0, 0, 1, 1], [], []>, transpose_lhs_hint = false} : vector<2000x128xf32>, vector<128x128xf32>, vector<2000x128xf32> -> vector<2000x128xf32>
    %swap3A = arith.constant 0 : index
    %swap3A_20 = arith.constant 0 : index
    %swap3A_21 = vector.load %arg4[%swap3A, %swap3A_20] : memref<2000x128xf32, #tpu.memory_space<vmem>>, vector<2000x128xf32>
    tpu.vector_store %arg4[%swap3A, %swap3A_20], %dot_general3A_19 {strides = array<i32>} : memref<2000x128xf32, #tpu.memory_space<vmem>>, vector<2000x128xf32>,
    return
  }
  func.func @transform_0(%arg0: i32) -> (i32, i32) {
    %c0_i32 = arith.constant 0 : i32
    %c0_i32_0 = arith.constant 0 : i32
    return %arg0, %c0_i32 : i32, i32
  }
  func.func @transform_1(%arg0: i32) -> (i32, i32) {
    %c0_i32 = arith.constant 0 : i32
    %c0_i32_0 = arith.constant 0 : i32
    %c0_i32_1 = arith.constant 0 : i32
    return %c0_i32, %c0_i32_0 : i32, i32
  }
  func.func @transform_2(%arg0: i32) -> (i32, i32, i32) {
    %c0_i32 = arith.constant 0 : i32
    %c0_i32_0 = arith.constant 0 : i32
    %c0_i32_1 = arith.constant 0 : i32
    return %c0_i32, %arg0, %c0_i32_0 : i32, i32, i32
  }
  func.func @transform_3(%arg0: i32) -> (i32, i32) {
    %c0_i32 = arith.constant 0 : i32
    %c0_i32_0 = arith.constant 0 : i32
    return %arg0, %c0_i32 : i32, i32
  }
}

module attributes {stable_mosaic.version = 14 : i64} {
  func.func @_head_body(%arg0: i32, %arg1: memref<2x2000x128xf32, #tpu.memory_space<vmem>>, %arg2: memref<2000x128xf32, #tpu.memory_space<vmem>>, %arg3: memref<2000x128xf32, #tpu.memory_space<vmem>>, %arg4: memref<2x2000x16xf32, #tpu.memory_space<vmem>>, %arg5: memref<2000x1xf32, #tpu.memory_space<vmem>>, %arg6: memref<1x128xf32, #tpu.memory_space<vmem>>, %arg7: memref<128x32xf32, #tpu.memory_space<vmem>>, %arg8: memref<1x32xf32, #tpu.memory_space<vmem>>, %arg9: memref<1x32xf32, #tpu.memory_space<vmem>>, %arg10: memref<32x32xf32, #tpu.memory_space<vmem>>, %arg11: memref<1x32xf32, #tpu.memory_space<vmem>>, %arg12: memref<32x128xf32, #tpu.memory_space<vmem>>, %arg13: memref<1x128xf32, #tpu.memory_space<vmem>>, %arg14: memref<256x128xf32, #tpu.memory_space<vmem>>) attributes {dimension_semantics = [#tpu.dimension_semantics<arbitrary>], iteration_bounds = array<i64: 5>, scalar_prefetch = 0 : i64, scratch_operands = 0 : i64, tpu.core_type = #tpu.core_type<tc>, window_params = [{transform_indices = @transform_0, window_bounds = array<i64: 2, 2000, 128>}, {transform_indices = @transform_1, window_bounds = array<i64: 2000, 128>}, {transform_indices = @transform_2, window_bounds = array<i64: 2000, 128>}, {transform_indices = @transform_3, window_bounds = array<i64: 2, 2000, 16>}, {transform_indices = @transform_4, window_bounds = array<i64: 2000, 1>}, {pipeline_mode = #tpu.pipeline_mode<synchronous>, transform_indices = @transform_5, window_bounds = array<i64: 1, 128>}, {pipeline_mode = #tpu.pipeline_mode<synchronous>, transform_indices = @transform_6, window_bounds = array<i64: 128, 32>}, {pipeline_mode = #tpu.pipeline_mode<synchronous>, transform_indices = @transform_7, window_bounds = array<i64: 1, 32>}, {pipeline_mode = #tpu.pipeline_mode<synchronous>, transform_indices = @transform_8, window_bounds = array<i64: 1, 32>}, {pipeline_mode = #tpu.pipeline_mode<synchronous>, transform_indices = @transform_9, window_bounds = array<i64: 32, 32>}, {pipeline_mode = #tpu.pipeline_mode<synchronous>, transform_indices = @transform_10, window_bounds = array<i64: 1, 32>}, {pipeline_mode = #tpu.pipeline_mode<synchronous>, transform_indices = @transform_11, window_bounds = array<i64: 32, 128>}, {pipeline_mode = #tpu.pipeline_mode<synchronous>, transform_indices = @transform_12, window_bounds = array<i64: 1, 128>}, {transform_indices = @transform_13, window_bounds = array<i64: 256, 128>}]} {
    %get3A = arith.constant 0 : index
    %get3A_0 = arith.constant 0 : index
    %get3A_1 = arith.constant 0 : index
    %get3A_2 = vector.load %arg1[%get3A, %get3A_0, %get3A_1] : memref<2x2000x128xf32, #tpu.memory_space<vmem>>, vector<1x2000x128xf32>
    %get3A_3 = vector.shape_cast %get3A_2 : vector<1x2000x128xf32> to vector<2000x128xf32>
    %get3A_4 = arith.constant 1 : index
    %get3A_5 = arith.constant 0 : index
    %get3A_6 = arith.constant 0 : index
    %get3A_7 = vector.load %arg1[%get3A_4, %get3A_5, %get3A_6] : memref<2x2000x128xf32, #tpu.memory_space<vmem>>, vector<1x2000x128xf32>
    %get3A_8 = vector.shape_cast %get3A_7 : vector<1x2000x128xf32> to vector<2000x128xf32>
    %add3A = arith.addf %get3A_3, %get3A_8 : vector<2000x128xf32>
    %get3A_9 = arith.constant 0 : index
    %get3A_10 = arith.constant 0 : index
    %get3A_11 = arith.constant 0 : index
    %get3A_12 = vector.load %arg4[%get3A_9, %get3A_10, %get3A_11] : memref<2x2000x16xf32, #tpu.memory_space<vmem>>, vector<1x2000x16xf32>
    %get3A_13 = vector.shape_cast %get3A_12 : vector<1x2000x16xf32> to vector<2000x16xf32>
    %get3A_14 = arith.constant 1 : index
    %get3A_15 = arith.constant 0 : index
    %get3A_16 = arith.constant 0 : index
    %get3A_17 = vector.load %arg4[%get3A_14, %get3A_15, %get3A_16] : memref<2x2000x16xf32, #tpu.memory_space<vmem>>, vector<1x2000x16xf32>
    %get3A_18 = vector.shape_cast %get3A_17 : vector<1x2000x16xf32> to vector<2000x16xf32>
    %add3A_19 = arith.addf %get3A_13, %get3A_18 : vector<2000x16xf32>
    %slice3A = vector.extract_strided_slice %add3A_19 {offsets = [0, 0], sizes = [2000, 1], strides = [1, 1]} : vector<2000x16xf32> to vector<2000x1xf32>
    %add3A_20 = arith.constant 1.000000e+00 : f32
    %add3A_21 = vector.broadcast %add3A_20 : f32 to vector<2000x1xf32>
    %add3A_22 = arith.addf %slice3A, %add3A_21 : vector<2000x1xf32>
    %rsqrt3A = math.rsqrt %add3A_22 : vector<2000x1xf32>
    %get3A_23 = arith.constant 0 : index
    %get3A_24 = arith.constant 0 : index
    %get3A_25 = vector.load %arg2[%get3A_23, %get3A_24] : memref<2000x128xf32, #tpu.memory_space<vmem>>, vector<2000x128xf32>
    %add3A_26 = arith.addf %add3A, %get3A_25 : vector<2000x128xf32>
    %mul3A = vector.broadcast %rsqrt3A : vector<2000x1xf32> to vector<2000x128xf32>
    %mul3A_27 = arith.mulf %mul3A, %add3A_26 : vector<2000x128xf32>
    %get3A_28 = arith.constant 0 : index
    %get3A_29 = arith.constant 0 : index
    %get3A_30 = vector.load %arg6[%get3A_28, %get3A_29] : memref<1x128xf32, #tpu.memory_space<vmem>>, vector<1x128xf32>
    %add3A_31 = vector.broadcast %get3A_30 : vector<1x128xf32> to vector<2000x128xf32>
    %add3A_32 = arith.addf %mul3A_27, %add3A_31 : vector<2000x128xf32>
    %max3A = arith.constant 0.000000e+00 : f32
    %max3A_33 = vector.broadcast %max3A : f32 to vector<2000x128xf32>
    %max3A_34 = arith.maximumf %add3A_32, %max3A_33 : vector<2000x128xf32>
    %get3A_35 = arith.constant 0 : index
    %get3A_36 = arith.constant 0 : index
    %get3A_37 = vector.load %arg3[%get3A_35, %get3A_36] : memref<2000x128xf32, #tpu.memory_space<vmem>>, vector<2000x128xf32>
    %add3A_38 = arith.addf %max3A_34, %get3A_37 : vector<2000x128xf32>
    %get3A_39 = arith.constant 0 : index
    %get3A_40 = arith.constant 0 : index
    %get3A_41 = vector.load %arg7[%get3A_39, %get3A_40] : memref<128x32xf32, #tpu.memory_space<vmem>>, vector<128x32xf32>
    %dot_general3A = arith.constant dense<0.000000e+00> : vector<2000x32xf32>
    %dot_general3A_42 = tpu.matmul %add3A_38, %get3A_41, %dot_general3A {dimension_numbers = #tpu.dot_dimension_numbers<[1], [0], [0], [1], [0, 0, 1, 1], [], []>, transpose_lhs_hint = false} : vector<2000x128xf32>, vector<128x32xf32>, vector<2000x32xf32> -> vector<2000x32xf32>
    %get3A_43 = arith.constant 0 : index
    %get3A_44 = arith.constant 0 : index
    %get3A_45 = vector.load %arg5[%get3A_43, %get3A_44] : memref<2000x1xf32, #tpu.memory_space<vmem>>, vector<2000x1xf32>
    %get3A_46 = arith.constant 0 : index
    %get3A_47 = arith.constant 0 : index
    %get3A_48 = vector.load %arg8[%get3A_46, %get3A_47] : memref<1x32xf32, #tpu.memory_space<vmem>>, vector<1x32xf32>
    %mul3A_49 = vector.broadcast %get3A_45 : vector<2000x1xf32> to vector<2000x32xf32>
    %mul3A_50 = vector.broadcast %get3A_48 : vector<1x32xf32> to vector<2000x32xf32>
    %mul3A_51 = arith.mulf %mul3A_49, %mul3A_50 : vector<2000x32xf32>
    %add3A_52 = arith.addf %dot_general3A_42, %mul3A_51 : vector<2000x32xf32>
    %get3A_53 = arith.constant 0 : index
    %get3A_54 = arith.constant 0 : index
    %get3A_55 = vector.load %arg9[%get3A_53, %get3A_54] : memref<1x32xf32, #tpu.memory_space<vmem>>, vector<1x32xf32>
    %add3A_56 = vector.broadcast %get3A_55 : vector<1x32xf32> to vector<2000x32xf32>
    %add3A_57 = arith.addf %add3A_52, %add3A_56 : vector<2000x32xf32>
    %max3A_58 = arith.constant 0.000000e+00 : f32
    %max3A_59 = vector.broadcast %max3A_58 : f32 to vector<2000x32xf32>
    %max3A_60 = arith.maximumf %add3A_57, %max3A_59 : vector<2000x32xf32>
    %get3A_61 = arith.constant 0 : index
    %get3A_62 = arith.constant 0 : index
    %get3A_63 = vector.load %arg10[%get3A_61, %get3A_62] : memref<32x32xf32, #tpu.memory_space<vmem>>, vector<32x32xf32>
    %dot_general3A_64 = arith.constant dense<0.000000e+00> : vector<2000x32xf32>
    %dot_general3A_65 = tpu.matmul %max3A_60, %get3A_63, %dot_general3A_64 {dimension_numbers = #tpu.dot_dimension_numbers<[1], [0], [0], [1], [0, 0, 1, 1], [], []>, transpose_lhs_hint = false} : vector<2000x32xf32>, vector<32x32xf32>, vector<2000x32xf32> -> vector<2000x32xf32>
    %get3A_66 = arith.constant 0 : index
    %get3A_67 = arith.constant 0 : index
    %get3A_68 = vector.load %arg11[%get3A_66, %get3A_67] : memref<1x32xf32, #tpu.memory_space<vmem>>, vector<1x32xf32>
    %add3A_69 = vector.broadcast %get3A_68 : vector<1x32xf32> to vector<2000x32xf32>
    %add3A_70 = arith.addf %dot_general3A_65, %add3A_69 : vector<2000x32xf32>
    %max3A_71 = arith.constant 0.000000e+00 : f32
    %max3A_72 = vector.broadcast %max3A_71 : f32 to vector<2000x32xf32>
    %max3A_73 = arith.maximumf %add3A_70, %max3A_72 : vector<2000x32xf32>
    %iota3A = tpu.iota {dimensions = array<i32: 0>} : vector<256x2000xi32>
    %iota3A_74 = tpu.iota {dimensions = array<i32: 1>} : vector<256x2000xi32>
    %shift_right_arithmetic3A = arith.constant 3 : i32
    %shift_right_arithmetic3A_75 = vector.broadcast %shift_right_arithmetic3A : i32 to vector<256x2000xi32>
    %shift_right_arithmetic3A_76 = arith.shrsi %iota3A_74, %shift_right_arithmetic3A_75 : vector<256x2000xi32>
    %eq3A = arith.cmpi eq, %shift_right_arithmetic3A_76, %iota3A : vector<256x2000xi32>
    %jit3A = arith.constant 1.000000e+00 : f32
    %jit3A_77 = arith.constant 0.000000e+00 : f32
    %broadcast_in_dim3A = vector.broadcast %jit3A : f32 to vector<256x2000xf32>
    %broadcast_in_dim3A_78 = vector.broadcast %jit3A_77 : f32 to vector<256x2000xf32>
    %select_n3A = arith.select %eq3A, %broadcast_in_dim3A, %broadcast_in_dim3A_78 : vector<256x2000xi1>, vector<256x2000xf32>
    %dot_general3A_79 = arith.constant dense<0.000000e+00> : vector<256x32xf32>
    %dot_general3A_80 = tpu.matmul %select_n3A, %max3A_73, %dot_general3A_79 {dimension_numbers = #tpu.dot_dimension_numbers<[1], [0], [0], [1], [0, 0, 1, 1], [], []>, transpose_lhs_hint = false} : vector<256x2000xf32>, vector<2000x32xf32>, vector<256x32xf32> -> vector<256x32xf32>
    %get3A_81 = arith.constant 0 : index
    %get3A_82 = arith.constant 0 : index
    %get3A_83 = vector.load %arg12[%get3A_81, %get3A_82] : memref<32x128xf32, #tpu.memory_space<vmem>>, vector<32x128xf32>
    %dot_general3A_84 = arith.constant dense<0.000000e+00> : vector<256x128xf32>
    %dot_general3A_85 = tpu.matmul %dot_general3A_80, %get3A_83, %dot_general3A_84 {dimension_numbers = #tpu.dot_dimension_numbers<[1], [0], [0], [1], [0, 0, 1, 1], [], []>, transpose_lhs_hint = false} : vector<256x32xf32>, vector<32x128xf32>, vector<256x128xf32> -> vector<256x128xf32>
    %get3A_86 = arith.constant 0 : index
    %get3A_87 = arith.constant 0 : index
    %get3A_88 = vector.load %arg13[%get3A_86, %get3A_87] : memref<1x128xf32, #tpu.memory_space<vmem>>, vector<1x128xf32>
    %add3A_89 = vector.broadcast %get3A_88 : vector<1x128xf32> to vector<256x128xf32>
    %add3A_90 = arith.addf %dot_general3A_85, %add3A_89 : vector<256x128xf32>
    %swap3A = arith.constant 0 : index
    %swap3A_91 = arith.constant 0 : index
    %swap3A_92 = vector.load %arg14[%swap3A, %swap3A_91] : memref<256x128xf32, #tpu.memory_space<vmem>>, vector<256x128xf32>
    tpu.vector_store %arg14[%swap3A, %swap3A_91], %add3A_90 {strides = array<i32>} : memref<256x128xf32, #tpu.memory_space<vmem>>, vector<256x128xf32>,
    return
  }
  func.func @transform_0(%arg0: i32) -> (i32, i32, i32) {
    %c0_i32 = arith.constant 0 : i32
    %c0_i32_0 = arith.constant 0 : i32
    %c0_i32_1 = arith.constant 0 : i32
    return %c0_i32, %arg0, %c0_i32_0 : i32, i32, i32
  }
  func.func @transform_1(%arg0: i32) -> (i32, i32) {
    %c0_i32 = arith.constant 0 : i32
    %c0_i32_0 = arith.constant 0 : i32
    return %arg0, %c0_i32 : i32, i32
  }
  func.func @transform_2(%arg0: i32) -> (i32, i32) {
    %c0_i32 = arith.constant 0 : i32
    %c0_i32_0 = arith.constant 0 : i32
    return %arg0, %c0_i32 : i32, i32
  }
  func.func @transform_3(%arg0: i32) -> (i32, i32, i32) {
    %c0_i32 = arith.constant 0 : i32
    %c0_i32_0 = arith.constant 0 : i32
    %c0_i32_1 = arith.constant 0 : i32
    return %c0_i32, %arg0, %c0_i32_0 : i32, i32, i32
  }
  func.func @transform_4(%arg0: i32) -> (i32, i32) {
    %c0_i32 = arith.constant 0 : i32
    %c0_i32_0 = arith.constant 0 : i32
    return %arg0, %c0_i32 : i32, i32
  }
  func.func @transform_5(%arg0: i32) -> (i32, i32) {
    %c0_i32 = arith.constant 0 : i32
    %c0_i32_0 = arith.constant 0 : i32
    %c0_i32_1 = arith.constant 0 : i32
    return %c0_i32, %c0_i32_0 : i32, i32
  }
  func.func @transform_6(%arg0: i32) -> (i32, i32) {
    %c0_i32 = arith.constant 0 : i32
    %c0_i32_0 = arith.constant 0 : i32
    %c0_i32_1 = arith.constant 0 : i32
    return %c0_i32, %c0_i32_0 : i32, i32
  }
  func.func @transform_7(%arg0: i32) -> (i32, i32) {
    %c0_i32 = arith.constant 0 : i32
    %c0_i32_0 = arith.constant 0 : i32
    %c0_i32_1 = arith.constant 0 : i32
    return %c0_i32, %c0_i32_0 : i32, i32
  }
  func.func @transform_8(%arg0: i32) -> (i32, i32) {
    %c0_i32 = arith.constant 0 : i32
    %c0_i32_0 = arith.constant 0 : i32
    %c0_i32_1 = arith.constant 0 : i32
    return %c0_i32, %c0_i32_0 : i32, i32
  }
  func.func @transform_9(%arg0: i32) -> (i32, i32) {
    %c0_i32 = arith.constant 0 : i32
    %c0_i32_0 = arith.constant 0 : i32
    %c0_i32_1 = arith.constant 0 : i32
    return %c0_i32, %c0_i32_0 : i32, i32
  }
  func.func @transform_10(%arg0: i32) -> (i32, i32) {
    %c0_i32 = arith.constant 0 : i32
    %c0_i32_0 = arith.constant 0 : i32
    %c0_i32_1 = arith.constant 0 : i32
    return %c0_i32, %c0_i32_0 : i32, i32
  }
  func.func @transform_11(%arg0: i32) -> (i32, i32) {
    %c0_i32 = arith.constant 0 : i32
    %c0_i32_0 = arith.constant 0 : i32
    %c0_i32_1 = arith.constant 0 : i32
    return %c0_i32, %c0_i32_0 : i32, i32
  }
  func.func @transform_12(%arg0: i32) -> (i32, i32) {
    %c0_i32 = arith.constant 0 : i32
    %c0_i32_0 = arith.constant 0 : i32
    %c0_i32_1 = arith.constant 0 : i32
    return %c0_i32, %c0_i32_0 : i32, i32
  }
  func.func @transform_13(%arg0: i32) -> (i32, i32) {
    %c0_i32 = arith.constant 0 : i32
    %c0_i32_0 = arith.constant 0 : i32
    return %arg0, %c0_i32 : i32, i32
  }
}

</mosaic_0001>

<sc_bundles>
// kernel: kernel.6.cloned.1.call-start
scs
__scs_entry_jumppad:
0x0: {  	(pc) =	sbr.rel $0x88, $3  }
0x1: {  	(tag) =	ssettag $0x0;
	lr =	simm.s32 $0x1  }
0x2: {  	[smem:$0x3F96] =	sst lr;
	_ =	strace $0xD0000000  }
0x3: {  	_ = 	snop  }
0x4: {  	_ = 	snop  }
0x5: {  	_ = 	snop  }
0x6: {  	_ = 	snop  }
0x7: {  	_ = 	snop  }
__scs_overlays_trampoline_lowered:
0x8: {  	[smem:$0x3FA5] =	sst s0  }
0x9: {  	[smem:$0x3FA6] =	sst s1  }
0xa: {  	[smem:$0x3FA7] =	sst s2  }
0xb: {  	[smem:$0x3FA8] =	sst s3  }
0xc: {  	[smem:$0x3FA9] =	sst s4  }
0xd: {  	[smem:$0x3FAA] =	sst s5  }
0xe: {  	[smem:$0x3FAB] =	sst s6  }
0xf: {  	[smem:$0x3FAC] =	sst s7  }
0x10: {  	[smem:$0x3FAD] =	sst s8  }
0x11: {  	[smem:$0x3FAE] =	sst s9;
	s0 =	simm.s32 @!p0 $0x0  }
0x12: {  	s1 =	sld [smem:$0x3F94];
	s0 =	simm.s32 @p0 $0x1  }
0x13: {  	[smem:$0x3FAF] =	sst s0;
	s0 =	simm.s32 @!p1 $0x0  }
0x14: {  	s2 =	sld [smem:$0x3F93];
	s0 =	simm.s32 @p1 $0x1  }
0x15: {  	[smem:$0x3FB0] =	sst s0;
	s0 =	simm.s32 @!p2 $0x0  }
0x16: {  	s3 =	sld [smem:$0x3FDB];
	s0 =	simm.s32 @p2 $0x1  }
0x17: {  	s4 =	simm.s32 $0x1BF5;
	[smem:$0x3FB2] =	sst s0  }
0x18: {  	s0 =	sld [smem:$0x3F95];
	_ =	swait.ge [sflag:s4], $0x0  }
0x19: {  	s7 =	sld [smem:$0x3F96]  }
0x1a: {  	s8 =	sadd.s32 $0xFFFFE003, lr  }
0x1b: {  	s9 =	sadd.s32 $0xFFFFFEF7, lr;
	s5 =	simm.s32 $0xFFFFFFFF;
	p2 =	slt.u32 s8, $0xFFFFF086  }
0x1c: {  	p1 =	slt.u32 s9, $0xF7A;
	s5 =	simm.s32 @!p2 $0x0  }
0x1d: {  	s5 =	simm.s32 @p1 $0x1;
	p0 =	seq.s32 s7, s2  }
0x1e: {  	s7 =	smul.u32 @!p0 $0xF7A, s2;
	p2 =	seq.s32 @!p0 s5, $0x0  }
0x1f: {  	s9 =	smul.u32 $0xF7A, s1;
	s8 =	simm.s32 @!p0 $0x1BF5;
	p2 =	por !p2, p0  }
0x20: {  	[sflag:s8] =	ssyncset.s32 @!p0 $0xFFFFF086;
	s6 =	sadd.s32 @!p0 s3, s7;
	s7 =	simm.s32 @!p0 $0x108  }
0x21: {  	s3 =	sadd.s32 s3, s9;
	s6 =	sadd.s32 @!p0 $0x88, s6;
	s7 =	simm.s32 @p2 $0x1082  }
0x22: {  	[simem:s7], [sflag:s8] =	dma.local @!p0 [hbm:s6], $0xF7A  }
0x23: {  	s9 =	sor.u32 $0xD0000000, s2;
	s6 =	simm.s32 $0x108;
	_ =	swait.ge @!p0 [sflag:s8], $0x0  }
0x24: {  	s3 =	sadd.s32 $0x88, s3;
	s6 =	simm.s32 @!p1 $0x1082;
	[sflag:s4] =	ssyncset.s32 $0xFFFFF086  }
0x25: {  	[simem:s6], [sflag:s4] =	dma.local [hbm:s3], $0xF7A  }
0x26: {  	[smem:$0x3F96] =	sst s1;
	(tag) =	ssettag s2;
	_ =	strace s9  }
0x27: {  	s1 =	sld [smem:$0x3FA6]  }
0x28: {  	s2 =	sld [smem:$0x3FA7]  }
0x29: {  	s4 =	sld [smem:$0x3FA9]  }
0x2a: {  	p0 =	seq.s32 s5, $0x0;
	s5 =	sld [smem:$0x3FAA]  }
0x2b: {  	s6 =	sld [smem:$0x3FAB]  }
0x2c: {  	s7 =	sld [smem:$0x3FAC]  }
0x2d: {  	s3 =	simm.s32 $0x108;
	s8 =	sld [smem:$0x3FAD]  }
0x2e: {  	s3 =	simm.s32 @!p0 $0x1082;
	s9 =	sld [smem:$0x3FAE]  }
0x2f: {  	lr =	sadd.s32 s0, s3;
	s0 =	sld [smem:$0x3FA5]  }
0x30: {  	s3 =	sld [smem:$0x3FA8]  }
0x31: {  	[smem:$0x3FB1] =	sst s10  }
0x32: {  	s10 =	sld [smem:$0x3FAF];
	_ =	sdelay $0x3  }
0x33: {  	p0 =	seq.s32 s10, $0x1;
	s10 =	sld [smem:$0x3FB1];
	_ =	sdelay $0x3  }
0x34: {  	[smem:$0x3FB1] =	sst s10  }
0x35: {  	s10 =	sld [smem:$0x3FB0];
	_ =	sdelay $0x3  }
0x36: {  	p1 =	seq.s32 s10, $0x1;
	s10 =	sld [smem:$0x3FB1];
	_ =	sdelay $0x3  }
0x37: {  	[smem:$0x3FB1] =	sst s10  }
0x38: {  	s10 =	sld [smem:$0x3FB2]  }
0x39: {  	_ = 	snop;
	(pc) =	sbr.ind lr, $3  }
0x3a: {  	_ = 	snop  }
0x3b: {  	_ = 	snop  }
0x3c: {  	p2 =	seq.s32 s10, $0x1;
	s10 =	sld [smem:$0x3FB1]  }
0x3d: {  	_ =	shalt  }
0x3e: {  	_ =	shalt  }
0x3f: {  	_ =	shalt  }
0x40: {  	_ =	shalt  }
0x41: {  	_ =	shalt  }
0x42: {  	_ =	shalt  }
0x43: {  	_ =	shalt  }
0x44: {  	_ =	shalt  }
0x45: {  	_ =	shalt  }
0x46: {  	_ =	shalt  }
0x47: {  	_ =	shalt  }
0x48: {  	_ =	shalt  }
0x49: {  	_ =	shalt  }
0x4a: {  	_ =	shalt  }
0x4b: {  	_ =	shalt  }
0x4c: {  	_ =	shalt  }
0x4d: {  	_ =	shalt  }
0x4e: {  	_ =	shalt  }
0x4f: {  	_ =	shalt  }
0x50: {  	_ =	shalt  }
0x51: {  	_ =	shalt  }
0x52: {  	_ =	shalt  }
0x53: {  	_ =	shalt  }
0x54: {  	_ =	shalt  }
0x55: {  	_ =	shalt  }
0x56: {  	_ =	shalt  }
0x57: {  	_ =	shalt  }
0x58: {  	_ =	shalt  }
0x59: {  	_ =	shalt  }
0x5a: {  	_ =	shalt  }
0x5b: {  	_ =	shalt  }
0x5c: {  	_ =	shalt  }
0x5d: {  	_ =	shalt  }
0x5e: {  	_ =	shalt  }
0x5f: {  	_ =	shalt  }
0x60: {  	_ =	shalt  }
0x61: {  	_ =	shalt  }
0x62: {  	_ =	shalt  }
0x63: {  	_ =	shalt  }
0x64: {  	_ =	shalt  }
0x65: {  	_ =	shalt  }
0x66: {  	_ =	shalt  }
0x67: {  	_ =	shalt  }
0x68: {  	_ =	shalt  }
0x69: {  	_ =	shalt  }
0x6a: {  	_ =	shalt  }
0x6b: {  	_ =	shalt  }
0x6c: {  	_ =	shalt  }
0x6d: {  	_ =	shalt  }
0x6e: {  	_ =	shalt  }
0x6f: {  	_ =	shalt  }
0x70: {  	_ =	shalt  }
0x71: {  	_ =	shalt  }
0x72: {  	_ =	shalt  }
0x73: {  	_ =	shalt  }
0x74: {  	_ =	shalt  }
0x75: {  	_ =	shalt  }
0x76: {  	_ =	shalt  }
0x77: {  	_ =	shalt  }
0x78: {  	_ =	shalt  }
0x79: {  	_ =	shalt  }
0x7a: {  	_ =	shalt  }
0x7b: {  	_ =	shalt  }
0x7c: {  	_ =	shalt  }
0x7d: {  	_ =	shalt  }
0x7e: {  	_ =	shalt  }
0x7f: {  	_ =	shalt  }
0x80: {  	_ =	shalt  }
0x81: {  	_ =	shalt  }
0x82: {  	_ =	shalt  }
0x83: {  	_ =	shalt  }
0x84: {  	_ =	shalt  }
0x85: {  	_ =	shalt  }
0x86: {  	_ =	shalt  }
0x87: {  	_ =	shalt  }
.Lfunc_end0:
.L_simem_size_0:
called_computation_lowered:
.L_overlay_start_0:
0x88: {  	s2 =	sld [smem:$0x3FD9]  }
0x89: {  	s3 =	sld [smem:$0x3FFE];
	_ =	sdelay $0x1  }
0x8a: {  	s1 =	srdreg.scid  }
0x8b: {  	s0 =	sand.u32 $0x1, s1  }
0x8c: {  	s16 =	sshll.u32 s0, $0xA;
	s2 =	sadd.s32 s3, s2  }
0x8d: {  	s2 =	sadd.s32 s2, s16  }
0x8e: {  	[smem:$0x3FBD] =	sst s2  }
0x8f: {  	_ = 	snop  }
0x90: {  	(tm) =	ssettm $0x1  }
0x91: {  	s17 =	sld [smem:$0x3FFB];
	_ =	sdelay $0x3  }
0x92: {  	_ =	strace s17  }
0x93: {  	s2 =	sld [smem:$0x3FFC];
	_ =	sdelay $0x3  }
0x94: {  	_ =	strace s2  }
0x95: {  	s2 =	sld [smem:$0x3FFD];
	_ =	sdelay $0x3  }
0x96: {  	_ =	strace s2  }
0x97: {  	_ =	strace $0x8FFFFFFF  }
0x98: {  	s18 =	sld [smem:$0x3FDB];
	_ =	sdelay $0x1  }
0x99: {  	s19 =	simm.s32 $_scs_section_size  }
0x9a: {  	s4 =	simm.s32 $_size__tile_overlayer_lowered;
	s5 =	simm.s32 $_tile_overlayer_lowered  }
0x9b: {  	s22 =	simm.s32 $0x1BFF;
	s21 =	sshll.u32 s5, $0x1;
	s2 =	sadd.s32 s19, s18  }
0x9c: {  	s6 =	simm.s32 $0x0;
	s20 =	sshll.u32 s4, $0x1;
	s4 =	sadd.s32 s21, s2  }
0x9d: {  	[timem:s6], [sflag:s22] =	dma.local [hbm:s4], s20  }
0x9e: {  	_ =	swait.ge [sflag:s22], s20  }
0x9f: {  	s3 =	ssub.s32 $0x0, s20;
	[sflag:s22] =	ssyncset.done $0x0  }
0xa0: {  	[sflag:s22] =	ssyncadd.s32 s3;
	_ =	sdelay $0x1  }
0xa1: {  	s23 =	simm.s32 $0x1B8B  }
0xa2: {  	_ =	swait.ge [sflag:s23], $0x1  }
0xa3: {  	[sflag:s23] =	ssyncset.done $0x0  }
0xa4: {  	s25 =	simm.s32 $0x1B8E;
	s24 =	sld [smem:$0x3FFE];
	[sflag:s23] =	ssyncadd.s32 $0xFFFFFFFF  }
0xa5: {  	s26 =	simm.s32 $execute0_lowered;
	[smem:$0x3FD2] =	sst s25  }
0xa6: {  	s4 =	sshll.u32 s26, $0x1;
	_ =	strace $0x80000046;
	[dreg:$0x1] =	wrdreg $0xFFFFFFFF  }
0xa7: {  	s28 =	simm.s32 $_size_execute0_lowered;
	s2 =	sadd.s32 s2, s4;
	[dreg:$0x0] =	wrdreg $0x0  }
0xa8: {  	s4 =	sshll.u32 s28, $0x1;
	[dreg:$0x2] =	wrdreg s2  }
0xa9: {  	[dreg:$0x3] =	wrdreg s4  }
0xaa: {  	[dreg:$0x4] =	wrdreg $0xC0  }
0xab: {  	_ =	task [dreg:s6], $0x5FFFF  }
0xac: {  	[dreg:$0x1] =	wrdreg $0xFFFFFFFF  }
0xad: {  	[dreg:$0x0] =	wrdreg $0x60  }
0xae: {  	[dreg:$0x2] =	wrdreg s24  }
0xaf: {  	[dreg:$0x3] =	wrdreg $0xAA800  }
0xb0: {  	[dreg:$0x4] =	wrdreg $0x9  }
0xb1: {  	_ =	task.clear_ibuf [dreg:s6], $0x5FFFF;
	_ =	strace $0x90000046  }
0xb2: {  	s29 =	simm.s32 $0x9;
	_ =	strace $0x80000048  }
0xb3: {  	_ =	swait.ge [sflag:s29], $0x1  }
0xb4: {  	[sflag:s29] =	ssyncadd.s32 $0xFFFFFFFF  }
0xb5: {  	_ =	strace $0x90000048  }
0xb6: {  	_ =	sfence  }
0xb7: {  	s30 =	sld [smem:$0x0];
	_ =	sdelay $0x2  }
0xb8: {  	s31 =	sshll.u32 s1, $0xD;
	s1 =	sshrl.u32 s1, $0x2  }
0xb9: {  	s3 =	sand.u32 $0x4000, s31;
	s1 =	sadd.s32 s1, s30  }
0xba: {  	s0 =	sor.u32 s3, s0;
	s1 =	sshll.u32 s1, $0x11  }
0xbb: {  	s0 =	sor.u32 s1, s0  }
0xbc: {  	s0 =	sadd.s32 $0x8F2B, s0  }
0xbd: {  	[sflag:s0] =	ssyncadd.remote.s32 $0x1  }
0xbe: {  	_ =	sfence.sel $0xFFFF  }
0xbf: {  	[dreg:$0x0] =	wrdreg $0xFFFFFFFF;
	(pc) =	sbr.abs _section_cstart, $3  }
0xc0: {  	[dreg:$0x1] =	wrdreg $0xFFFFFFFF  }
0xc1: {  	_ =	task.clear_ibuf [dreg:s6], $0x2FFFF;
	_ =	strace $0x9FFFFFFF  }
0xc2: {  	(tm) =	ssettm $0x7FFFFFFF  }
0xc3: {  	_ =	shalt  }
tec
execute0_lowered:
.L_overlay_start_1:
0x0: {  	(tag) =	ssettag $0x1  }
0x1: {  	s0 =	srdreg.scid;
	s1 =	rddreg [dreg:$0x0]  }
0x2: {  	s2 =	rddreg [dreg:$0x1];
	s11 =	stileid.u32;
	s3 =	simm.s32 $0x0  }
0x3: {  	s28 =	simm.s32 $0x5;
	s29 =	simm.s32 $0x1;
	s30 =	simm.s32 $0x280  }
0x4: {  	s31 =	simm.s32 $0x2;
	s0 =	sand.u32 $0x1, s0;
	s7 =	smul.u32 $0x4E000, s11  }
0x5: {  	[smem:$0x7FF] =	sst s3;
	s21 =	smul.u32 $0x13800, s11;
	s12 =	sadd.s32 $0x138000, s2  }
0x6: {  	s23 =	smul.u32 $0x2710, s11;
	p0 =	sne.s32 s11, $0xF;
	s4 =	sshll.u32 s0, $0x4  }
0x7: {  	_ =	strace $0x80000047;
	s6 =	ssub.s32 $0x2, s0;
	s19 =	smul.u32 $0x138800, s0  }
0x8: {  	s0 =	smul.u32 $0x27100, s0;
	s4 =	sor.u32 s11, s4;
	s8 =	sshrl.u32 s6, $0x1  }
0x9: {  	s7 =	sshrl.u32 s7, $0x2;
	s5 =	smul.u32 $0x2710, s4;
	s4 =	sadd.s32 $0x2400, s1  }
0xa: {  	s1 =	sadd.s32 $0x16000, s1;
	s6 =	ssub.s32 s6, s8;
	s8 =	sadd.s32 s7, s2  }
0xb: {  	s7 =	sshrl.u32 s19, $0x3;
	s0 =	sadd.s32 s23, s0;
	s23 =	simm.s32 $0x80  }
0xc: {  	s20 =	sadd.s32 $0x6800, s8;
	s10 =	sadd.s32 $0xD000, s8;
	s7 =	sadd.s32 s1, s7  }
0xd: {  	s16 =	smax.u32 s6, $0x1;
	s24 =	sadd.s32 $0x380, s0;
	s25 =	sadd.s32 $0x300, s0  }
0xe: {  	s26 =	sadd.s32 $0x280, s0;
	s5 =	sshrl.u32 s5, $0x3;
	[dreg:$0x6] =	wrdreg s20  }
0xf: {  	[dreg:$0x7] =	wrdreg s10;
	s15 =	sadd.s32 $0x27000, s7;
	s5 =	sadd.s32 s4, s5  }
0x10: {  	s6 =	sshrl.u32 s25, $0x3;
	s7 =	sshrl.u32 s26, $0x3;
	s17 =	sadd.s32 $0x10, s5  }
0x11: {  	s25 =	simm.s32 $0x180;
	s18 =	sadd.s32 $0x20, s5;
	[dreg:$0x3] =	wrdreg s17  }
0x12: {  	s26 =	simm.s32 $0x4280;
	s9 =	sadd.s32 $0x30, s5;
	[dreg:$0x4] =	wrdreg s18  }
0x13: {  	s20 =	sadd.s32 s6, s4;
	s22 =	sadd.s32 $0x4E0, s5;
	[dreg:$0x5] =	wrdreg s9  }
0x14: {  	s6 =	simm.s32 $0x200;
	[dreg:$0x8] =	wrdreg s22;
	s9 =	sadd.s32 s21, s19  }
0x15: {  	s17 =	sadd.s32 $0x4C0, s5;
	s18 =	sadd.s32 $0x4D0, s5;
	s21 =	sadd.s32 s7, s4  }
0x16: {  	s22 =	sadd.s32 $0x200, s0;
	s0 =	simm.s32 $0x3;
	s9 =	sshrl.u32 s9, $0x3  }
0x17: {  	s7 =	simm.s32 $0x0;
	s14 =	sadd.s32 s1, s9;
	s1 =	sshrl.u32 s24, $0x3  }
0x18: {  	v0 =	vimm.f32 $1.000000000e+00;
	v1 =	vimm.f32 $0.0e+00;
	s24 =	simm.s32 $0x100;
	s19 =	sadd.s32 s1, s4;
	s1 =	simm.s32 $0x4  }
.LBB2_1:
0x19: {  	[tilespmem:s3], [sflag:$0x1] =	stream.linear.gather [hbm4b:s5+s3], $0x80, $0x38;
	[tilespmem:$0xD190] =	vst v63  }
0x1a: {  	s9 =	rddreg [dreg:$0x3]  }
0x1b: {  	[tilespmem:s23], [sflag:$0x2] =	stream.linear.gather [hbm4b:s9+s3], $0x80, $0x38;
	[tilespmem:$0xD190] =	vst v63  }
0x1c: {  	s11 =	rddreg [dreg:$0x4]  }
0x1d: {  	[tilespmem:s24], [sflag:$0x3] =	stream.linear.gather [hbm4b:s11+s3], $0x80, $0x38;
	[tilespmem:$0xD190] =	vst v63  }
0x1e: {  	s13 =	rddreg [dreg:$0x5];
	s9 =	simm.s32 $0x0  }
0x1f: {  	[tilespmem:s25], [sflag:$0x4] =	stream.linear.gather [hbm4b:s13+s3], $0x80, $0x38;
	[tilespmem:$0xD190] =	vst v63  }
.LBB2_2:
0x20: {  	p1 =	sne.s32 s9, $0xFE00  }
.Ltmp0:
0x21: {  	_ = 	snop;
	(pc) =	sbr.rel @p1 .LBB2_2-.Ltmp0, $3  }
0x22: {  	_ =	sdelay $0x1  }
0x23: {  	s10 =	sshra.s32 s9, $0x2  }
0x24: {  	s9 =	sadd.s32 $0x200, s9;
	[tilespmem:s10+$0x280] =	vst v0  }
0x25: {  	s9 =	simm.s32 $0x200;
	s10 =	simm.s32 $0x0  }
.LBB2_4:
0x26: {  	p1 =	sne.s32 s9, $0x19E00;
	[tilespmem:s10+$0x4280] =	vst v1;
	s10 =	smov.u32 s9;
	s9 =	sadd.s32 $0x200, s9  }
.Ltmp1:
0x27: {  	(pc) =	sbr.rel @p1 .LBB2_4-.Ltmp1, $2  }
0x28: {  	_ =	sdelay $0x2  }
0x29: {  	s10 =	sshra.s32 s10, $0x2  }
0x2a: {  	[tilespmem:s10+$0x4280] =	vst v1  }
0x2b: {  	[spmem:s8] =	stream.linear.scatter [tilespmem:s26], [sflag:$0x5], $0x6800, $0x38;
	[tilespmem:$0xD190] =	vst v63  }
0x2c: {  	_ =	swait.ge [sflag:s28], $0x6800  }
0x2d: {  	[sflag:s28] =	ssyncset.done $0x0  }
0x2e: {  	s9 =	rddreg [dreg:$0x6];
	[sflag:s28] =	ssyncadd.s32 $0xFFFF9800  }
0x2f: {  	[spmem:s9] =	stream.linear.scatter [tilespmem:s26], [sflag:$0x5], $0x6800, $0x38;
	[tilespmem:$0xD190] =	vst v63  }
0x30: {  	_ =	swait.ge [sflag:s28], $0x6800  }
0x31: {  	[sflag:s28] =	ssyncset.done $0x0  }
0x32: {  	s13 =	rddreg [dreg:$0x7];
	[sflag:s28] =	ssyncadd.s32 $0xFFFF9800  }
0x33: {  	[spmem:s13] =	stream.linear.scatter [tilespmem:s26], [sflag:$0x5], $0x6800, $0x38;
	[tilespmem:$0xD190] =	vst v63  }
0x34: {  	_ =	swait.ge [sflag:s28], $0x6800  }
0x35: {  	[sflag:s28] =	ssyncset.done $0x0  }
0x36: {  	s9 =	simm.s32 @!p0 $0x4280;
	[sflag:s28] =	ssyncadd.s32 $0xFFFF9800  }
0x37: {  	[spmem:s12] =	stream.linear.scatter @!p0 [tilespmem:s9], [sflag:$0x5], $0x800, $0x38;
	[tilespmem:$0xD190] =	vst v63  }
0x38: {  	s9 =	simm.s32 @!p0 $0x5  }
0x39: {  	_ =	swait.ge @!p0 [sflag:s9], $0x800  }
0x3a: {  	[sflag:s9] =	ssyncset.done @!p0 $0x0  }
0x3b: {  	[sflag:s9] =	ssyncadd.s32 @!p0 $0xFFFFF800  }
0x3c: {  	[bflag:$0x0] =	sbarrier.arrive $0xFFFF  }
0x3d: {  	_ =	swait.ge [sflag:s29], $0x80  }
0x3e: {  	[sflag:s29] =	ssyncset.done $0x0  }
0x3f: {  	[sflag:s29] =	ssyncadd.s32 $0xFFFFFF80  }
0x40: {  	[spmem:s2] =	stream.indirect.scatter.add.f32 [tilespmem:s30], [sflag:$0x5], $0x10, s3, s23, $0xb8;
	[tilespmem:$0xD190] =	vst v63  }
0x41: {  	_ =	swait.ge [sflag:s28], $0x800  }
0x42: {  	s10 =	sshrl.u32 s22, $0x3;
	[sflag:s28] =	ssyncset.done $0x0  }
0x43: {  	s9 =	sadd.s32 s4, s10;
	[sflag:s28] =	ssyncadd.s32 $0xFFFFF800  }
0x44: {  	[tilespmem:s3], [sflag:$0x1] =	stream.linear.gather [hbm4b:s9+s3], $0x80, $0x38;
	[tilespmem:$0xD190] =	vst v63  }
0x45: {  	_ =	swait.ge [sflag:s31], $0x80  }
0x46: {  	[sflag:s31] =	ssyncset.done $0x0  }
0x47: {  	[sflag:s31] =	ssyncadd.s32 $0xFFFFFF80  }
0x48: {  	[spmem:s2] =	stream.indirect.scatter.add.f32 [tilespmem:s30], [sflag:$0x5], $0x10, s23, s23, $0xb8;
	[tilespmem:$0xD190] =	vst v63  }
0x49: {  	_ =	swait.ge [sflag:s28], $0x800  }
0x4a: {  	[sflag:s28] =	ssyncset.done $0x0  }
0x4b: {  	s11 =	sadd.s32 $0x0, s21;
	[sflag:s28] =	ssyncadd.s32 $0xFFFFF800  }
0x4c: {  	[tilespmem:s23], [sflag:$0x2] =	stream.linear.gather [hbm4b:s11+s3], $0x80, $0x38;
	[tilespmem:$0xD190] =	vst v63  }
0x4d: {  	_ =	swait.ge [sflag:s0], $0x80  }
0x4e: {  	[sflag:s0] =	ssyncset.done $0x0  }
0x4f: {  	[sflag:s0] =	ssyncadd.s32 $0xFFFFFF80  }
0x50: {  	[spmem:s2] =	stream.indirect.scatter.add.f32 [tilespmem:s30], [sflag:$0x5], $0x10, s24, s23, $0xb8;
	[tilespmem:$0xD190] =	vst v63  }
0x51: {  	_ =	swait.ge [sflag:s28], $0x800  }
0x52: {  	[sflag:s28] =	ssyncset.done $0x0  }
0x53: {  	s13 =	sadd.s32 $0x0, s20;
	[sflag:s28] =	ssyncadd.s32 $0xFFFFF800  }
0x54: {  	[tilespmem:s24], [sflag:$0x3] =	stream.linear.gather [hbm4b:s13+s3], $0x80, $0x38;
	[tilespmem:$0xD190] =	vst v63  }
0x55: {  	_ =	swait.ge [sflag:s1], $0x80  }
0x56: {  	[sflag:s1] =	ssyncset.done $0x0  }
0x57: {  	[sflag:s1] =	ssyncadd.s32 $0xFFFFFF80  }
0x58: {  	[spmem:s2] =	stream.indirect.scatter.add.f32 [tilespmem:s30], [sflag:$0x5], $0x10, s25, s23, $0xb8;
	[tilespmem:$0xD190] =	vst v63  }
0x59: {  	_ =	swait.ge [sflag:s28], $0x800  }
0x5a: {  	s10 =	sadd.s32 $0x200, s22;
	[sflag:s28] =	ssyncset.done $0x0  }
0x5b: {  	s9 =	simm.s32 $0x40;
	s11 =	sadd.s32 $0x0, s19;
	[sflag:s28] =	ssyncadd.s32 $0xFFFFF800  }
.LBB2_6:
0x5c: {  	[tilespmem:s25], [sflag:$0x4] =	stream.linear.gather [hbm4b:s11+s3], $0x80, $0x38;
	[tilespmem:$0xD190] =	vst v63  }
0x5d: {  	s11 =	smov.u32 s9  }
0x5e: {  	p1 =	sne.s32 s9, $0x440;
	s9 =	sadd.s32 $0x40, s9;
	_ =	swait.ge [sflag:s29], $0x80  }
0x5f: {  	[sflag:s29] =	ssyncset.done $0x0  }
0x60: {  	[sflag:s29] =	ssyncadd.s32 $0xFFFFFF80  }
0x61: {  	[spmem:s2] =	stream.indirect.scatter.add.f32 [tilespmem:s30], [sflag:$0x5], $0x10, s3, s23, $0xb8;
	[tilespmem:$0xD190] =	vst v63  }
0x62: {  	_ =	swait.ge [sflag:s28], $0x800  }
0x63: {  	s13 =	sshrl.u32 s10, $0x3;
	[sflag:s28] =	ssyncset.done $0x0  }
0x64: {  	s13 =	sadd.s32 s4, s13;
	[sflag:s28] =	ssyncadd.s32 $0xFFFFF800  }
0x65: {  	[tilespmem:s3], [sflag:$0x1] =	stream.linear.gather [hbm4b:s13+s3], $0x80, $0x38;
	[tilespmem:$0xD190] =	vst v63  }
0x66: {  	_ =	swait.ge [sflag:s31], $0x80  }
0x67: {  	[sflag:s31] =	ssyncset.done $0x0  }
0x68: {  	[sflag:s31] =	ssyncadd.s32 $0xFFFFFF80  }
0x69: {  	[spmem:s2] =	stream.indirect.scatter.add.f32 [tilespmem:s30], [sflag:$0x5], $0x10, s23, s23, $0xb8;
	[tilespmem:$0xD190] =	vst v63  }
0x6a: {  	_ =	swait.ge [sflag:s28], $0x800  }
0x6b: {  	[sflag:s28] =	ssyncset.done $0x0  }
0x6c: {  	s13 =	sadd.s32 s11, s21;
	[sflag:s28] =	ssyncadd.s32 $0xFFFFF800  }
0x6d: {  	[tilespmem:s23], [sflag:$0x2] =	stream.linear.gather [hbm4b:s13+s3], $0x80, $0x38;
	[tilespmem:$0xD190] =	vst v63  }
0x6e: {  	_ =	swait.ge [sflag:s0], $0x80  }
0x6f: {  	[sflag:s0] =	ssyncset.done $0x0  }
0x70: {  	[sflag:s0] =	ssyncadd.s32 $0xFFFFFF80  }
0x71: {  	[spmem:s2] =	stream.indirect.scatter.add.f32 [tilespmem:s30], [sflag:$0x5], $0x10, s24, s23, $0xb8;
	[tilespmem:$0xD190] =	vst v63  }
0x72: {  	_ =	swait.ge [sflag:s28], $0x800  }
0x73: {  	[sflag:s28] =	ssyncset.done $0x0  }
0x74: {  	s13 =	sadd.s32 s11, s20;
	[sflag:s28] =	ssyncadd.s32 $0xFFFFF800  }
0x75: {  	[tilespmem:s24], [sflag:$0x3] =	stream.linear.gather [hbm4b:s13+s3], $0x80, $0x38;
	[tilespmem:$0xD190] =	vst v63  }
0x76: {  	_ =	swait.ge [sflag:s1], $0x80  }
0x77: {  	[sflag:s1] =	ssyncset.done $0x0  }
.Ltmp2:
0x78: {  	[sflag:s1] =	ssyncadd.s32 $0xFFFFFF80;
	(pc) =	sbr.rel @p1 .LBB2_6-.Ltmp2, $4  }
0x79: {  	[spmem:s2] =	stream.indirect.scatter.add.f32 [tilespmem:s30], [sflag:$0x5], $0x10, s25, s23, $0xb8;
	[tilespmem:$0xD190] =	vst v63  }
0x7a: {  	_ =	swait.ge [sflag:s28], $0x800  }
0x7b: {  	[sflag:s28] =	ssyncset.done $0x0  }
0x7c: {  	s10 =	sadd.s32 $0x200, s10;
	s11 =	sadd.s32 s11, s19;
	[sflag:s28] =	ssyncadd.s32 $0xFFFFF800  }
0x7d: {  	[tilespmem:s25], [sflag:$0x4] =	stream.linear.gather [hbm4b:s11+s3], $0x80, $0x38;
	[tilespmem:$0xD190] =	vst v63  }
0x7e: {  	_ =	swait.ge [sflag:s29], $0x80  }
0x7f: {  	[sflag:s29] =	ssyncset.done $0x0  }
0x80: {  	[sflag:s29] =	ssyncadd.s32 $0xFFFFFF80  }
0x81: {  	[spmem:s2] =	stream.indirect.scatter.add.f32 [tilespmem:s30], [sflag:$0x5], $0x10, s3, s23, $0xb8;
	[tilespmem:$0xD190] =	vst v63  }
0x82: {  	_ =	swait.ge [sflag:s28], $0x800  }
0x83: {  	[sflag:s28] =	ssyncset.done $0x0  }
0x84: {  	[sflag:s28] =	ssyncadd.s32 $0xFFFFF800  }
0x85: {  	[tilespmem:s3], [sflag:$0x1] =	stream.linear.gather [hbm4b:s17+s3], $0x80, $0x38;
	[tilespmem:$0xD190] =	vst v63  }
0x86: {  	_ =	swait.ge [sflag:s31], $0x80  }
0x87: {  	[sflag:s31] =	ssyncset.done $0x0  }
0x88: {  	[sflag:s31] =	ssyncadd.s32 $0xFFFFFF80  }
0x89: {  	[spmem:s2] =	stream.indirect.scatter.add.f32 [tilespmem:s30], [sflag:$0x5], $0x10, s23, s23, $0xb8;
	[tilespmem:$0xD190] =	vst v63  }
0x8a: {  	_ =	swait.ge [sflag:s28], $0x800  }
0x8b: {  	[sflag:s28] =	ssyncset.done $0x0  }
0x8c: {  	[sflag:s28] =	ssyncadd.s32 $0xFFFFF800  }
0x8d: {  	[tilespmem:s23], [sflag:$0x2] =	stream.linear.gather [hbm4b:s18+s3], $0x80, $0x38;
	[tilespmem:$0xD190] =	vst v63  }
0x8e: {  	_ =	swait.ge [sflag:s0], $0x80  }
0x8f: {  	[sflag:s0] =	ssyncset.done $0x0  }
0x90: {  	[sflag:s0] =	ssyncadd.s32 $0xFFFFFF80  }
0x91: {  	[spmem:s2] =	stream.indirect.scatter.add.f32 [tilespmem:s30], [sflag:$0x5], $0x10, s24, s23, $0xb8;
	[tilespmem:$0xD190] =	vst v63  }
0x92: {  	_ =	swait.ge [sflag:s28], $0x800  }
0x93: {  	[sflag:s28] =	ssyncset.done $0x0  }
0x94: {  	[sflag:s28] =	ssyncadd.s32 $0xFFFFF800  }
0x95: {  	_ =	swait.ge [sflag:s1], $0x80  }
0x96: {  	[sflag:s1] =	ssyncset.done $0x0  }
0x97: {  	[sflag:s1] =	ssyncadd.s32 $0xFFFFFF80  }
0x98: {  	[spmem:s2] =	stream.indirect.scatter.add.f32 [tilespmem:s30], [sflag:$0x5], $0x10, s25, s23, $0xb8;
	[tilespmem:$0xD190] =	vst v63  }
0x99: {  	_ =	swait.ge [sflag:s28], $0x800  }
0x9a: {  	[sflag:s28] =	ssyncset.done $0x0  }
0x9b: {  	[sflag:s28] =	ssyncadd.s32 $0xFFFFF800  }
0x9c: {  	_ =	swait.ge [sflag:s29], $0x80  }
0x9d: {  	[sflag:s29] =	ssyncset.done $0x0  }
0x9e: {  	[sflag:s29] =	ssyncadd.s32 $0xFFFFFF80  }
0x9f: {  	[spmem:s2] =	stream.indirect.scatter.add.f32 [tilespmem:s30], [sflag:$0x5], $0x10, s3, s23, $0xb8;
	[tilespmem:$0xD190] =	vst v63  }
0xa0: {  	_ =	swait.ge [sflag:s28], $0x800  }
0xa1: {  	[sflag:s28] =	ssyncset.done $0x0  }
0xa2: {  	[sflag:s28] =	ssyncadd.s32 $0xFFFFF800  }
0xa3: {  	_ =	swait.ge [sflag:s31], $0x80  }
0xa4: {  	[sflag:s31] =	ssyncset.done $0x0  }
0xa5: {  	[sflag:s31] =	ssyncadd.s32 $0xFFFFFF80  }
0xa6: {  	[spmem:s2] =	stream.indirect.scatter.add.f32 [tilespmem:s30], [sflag:$0x5], $0x10, s23, s23, $0xb8;
	[tilespmem:$0xD190] =	vst v63  }
0xa7: {  	_ =	swait.ge [sflag:s28], $0x800  }
0xa8: {  	[sflag:s28] =	ssyncset.done $0x0  }
0xa9: {  	s9 =	rddreg [dreg:$0x8];
	[sflag:s28] =	ssyncadd.s32 $0xFFFFF800  }
0xaa: {  	[tilespmem:s6], [sflag:$0x5] =	stream.linear.gather [hbm4b:s9+s3], $0x10, $0x38;
	[tilespmem:$0xD190] =	vst v63  }
0xab: {  	_ =	swait.ge [sflag:s28], $0x10  }
0xac: {  	[sflag:s28] =	ssyncset.done $0x0  }
0xad: {  	s11 =	simm.s32 $0x10;
	[sflag:s28] =	ssyncadd.s32 $0xFFFFFFF0  }
0xae: {  	[spmem:s2] =	stream.indirect.scatter.add.f32 [tilespmem:s30], [sflag:$0x5], $0x10, s6, s11, $0xb8;
	[tilespmem:$0xD190] =	vst v63  }
0xaf: {  	_ =	swait.ge [sflag:s28], $0x100  }
0xb0: {  	s13 =	stileid.u32;
	[sflag:s28] =	ssyncset.done $0x0  }
0xb1: {  	s9 =	sshll.u32 s13, $0x6;
	[sflag:s28] =	ssyncadd.s32 $0xFFFFFF00  }
0xb2: {  	s10 =	sshrl.u32 s8, $0x3;
	s9 =	sor.u32 $0x1C05, s9;
	[bflag:$0x0] =	sbarrier.arrive $0xFFFF  }
0xb3: {  	[hbm:s14], [sflag:s9] =	dma.local [spmem:s10], $0x2700  }
0xb4: {  	_ =	swait.ge [sflag:s28], $0x2700  }
0xb5: {  	s7 =	sadd.s32 $0x1, s7;
	[sflag:s28] =	ssyncset.done $0x0  }
0xb6: {  	p1 =	sne.s32 s7, s16;
	s10 =	sshrl.u32 @!p0 s12, $0x3;
	[sflag:s28] =	ssyncadd.s32 $0xFFFFD900  }
0xb7: {  	[hbm:s15], [sflag:s9] =	dma.local @!p0 [spmem:s10], $0x100  }
.Ltmp3:
0xb8: {  	_ = 	snop;
	(pc) =	sbr.rel @p1 .LBB2_1-.Ltmp3, $4  }
0xb9: {  	s9 =	simm.s32 @!p0 $0x5  }
0xba: {  	_ =	swait.ge @!p0 [sflag:s9], $0x100  }
0xbb: {  	[sflag:s9] =	ssyncset.done @!p0 $0x0  }
0xbc: {  	[sflag:s9] =	ssyncadd.s32 @!p0 $0xFFFFFF00  }
0xbd: {  	_ =	sfence.sel $0x180000  }
0xbe: {  	[bflag:$0x0] =	sbarrier.arrive $0xFFFF  }
0xbf: {  	_ =	strace $0x90000047  }
0xc0: {  	s0 =	stileid.u32;
	[bflag:$0x2] =	sbarrier.arrive $0xFFFF  }
0xc1: {  	p0 =	sne.s32 s0, $0x0;
	s0 =	rddreg [dreg:$0x2]  }
0xc2: {  	s0 =	sadd.s32 @!p0 $0x100000, s0  }
0xc3: {  	[sflag:s0] =	ssyncadd.tile.s32 @!p0 $0x1;
	_ =	shalt  }
.Lfunc_end2:
_tile_overlayer_lowered:
.L_overlay_start_2:
0xc4: {  	(tag) =	ssettag $0x2  }
0xc5: {  	s0 =	rddreg [dreg:$0x0];
	s2 =	stileid.u32  }
0xc6: {  	s1 =	rddreg [dreg:$0x1];
	p0 =	sne.s32 s2, $0x0  }
0xc7: {  	s3 =	rddreg [dreg:$0x2];
	[bflag:$0x3] =	sbarrier.arrive $0xFFFF;
	s2 =	simm.s32 @!p0 $0x1C05  }
0xc8: {  	[timem:s3], [sflag:s2] =	dma.local @!p0 [hbm:s0], s1  }
0xc9: {  	s0 =	simm.s32 @!p0 $0x5  }
0xca: {  	_ =	swait.ge @!p0 [sflag:s0], s1  }
0xcb: {  	s1 =	ssub.s32 @!p0 $0x0, s1;
	[sflag:s0] =	ssyncset.done @!p0 $0x0  }
0xcc: {  	[sflag:s0] =	ssyncadd.s32 @!p0 s1  }
0xcd: {  	[bflag:$0x3] =	sbarrier.arrive $0xFFFF  }
0xce: {  	_ =	shalt  }

// kernel: kernel.9.cloned.1.call-start
scs
__scs_entry_jumppad:
0x0: {  	(pc) =	sbr.rel $0x88, $3  }
0x1: {  	(tag) =	ssettag $0x0;
	lr =	simm.s32 $0x1  }
0x2: {  	[smem:$0x3F96] =	sst lr;
	_ =	strace $0xD0000000  }
0x3: {  	_ = 	snop  }
0x4: {  	_ = 	snop  }
0x5: {  	_ = 	snop  }
0x6: {  	_ = 	snop  }
0x7: {  	_ = 	snop  }
__scs_overlays_trampoline_lowered:
0x8: {  	[smem:$0x3FA5] =	sst s0  }
0x9: {  	[smem:$0x3FA6] =	sst s1  }
0xa: {  	[smem:$0x3FA7] =	sst s2  }
0xb: {  	[smem:$0x3FA8] =	sst s3  }
0xc: {  	[smem:$0x3FA9] =	sst s4  }
0xd: {  	[smem:$0x3FAA] =	sst s5  }
0xe: {  	[smem:$0x3FAB] =	sst s6  }
0xf: {  	[smem:$0x3FAC] =	sst s7  }
0x10: {  	[smem:$0x3FAD] =	sst s8  }
0x11: {  	[smem:$0x3FAE] =	sst s9;
	s0 =	simm.s32 @!p0 $0x0  }
0x12: {  	s1 =	sld [smem:$0x3F94];
	s0 =	simm.s32 @p0 $0x1  }
0x13: {  	[smem:$0x3FAF] =	sst s0;
	s0 =	simm.s32 @!p1 $0x0  }
0x14: {  	s2 =	sld [smem:$0x3F93];
	s0 =	simm.s32 @p1 $0x1  }
0x15: {  	[smem:$0x3FB0] =	sst s0;
	s0 =	simm.s32 @!p2 $0x0  }
0x16: {  	s3 =	sld [smem:$0x3FDB];
	s0 =	simm.s32 @p2 $0x1  }
0x17: {  	s4 =	simm.s32 $0x1BF5;
	[smem:$0x3FB2] =	sst s0  }
0x18: {  	s0 =	sld [smem:$0x3F95];
	_ =	swait.ge [sflag:s4], $0x0  }
0x19: {  	s7 =	sld [smem:$0x3F96]  }
0x1a: {  	s8 =	sadd.s32 $0xFFFFE003, lr  }
0x1b: {  	s9 =	sadd.s32 $0xFFFFFEF7, lr;
	s5 =	simm.s32 $0xFFFFFFFF;
	p2 =	slt.u32 s8, $0xFFFFF086  }
0x1c: {  	p1 =	slt.u32 s9, $0xF7A;
	s5 =	simm.s32 @!p2 $0x0  }
0x1d: {  	s5 =	simm.s32 @p1 $0x1;
	p0 =	seq.s32 s7, s2  }
0x1e: {  	s7 =	smul.u32 @!p0 $0xF7A, s2;
	p2 =	seq.s32 @!p0 s5, $0x0  }
0x1f: {  	s9 =	smul.u32 $0xF7A, s1;
	s8 =	simm.s32 @!p0 $0x1BF5;
	p2 =	por !p2, p0  }
0x20: {  	[sflag:s8] =	ssyncset.s32 @!p0 $0xFFFFF086;
	s6 =	sadd.s32 @!p0 s3, s7;
	s7 =	simm.s32 @!p0 $0x108  }
0x21: {  	s3 =	sadd.s32 s3, s9;
	s6 =	sadd.s32 @!p0 $0x88, s6;
	s7 =	simm.s32 @p2 $0x1082  }
0x22: {  	[simem:s7], [sflag:s8] =	dma.local @!p0 [hbm:s6], $0xF7A  }
0x23: {  	s9 =	sor.u32 $0xD0000000, s2;
	s6 =	simm.s32 $0x108;
	_ =	swait.ge @!p0 [sflag:s8], $0x0  }
0x24: {  	s3 =	sadd.s32 $0x88, s3;
	s6 =	simm.s32 @!p1 $0x1082;
	[sflag:s4] =	ssyncset.s32 $0xFFFFF086  }
0x25: {  	[simem:s6], [sflag:s4] =	dma.local [hbm:s3], $0xF7A  }
0x26: {  	[smem:$0x3F96] =	sst s1;
	(tag) =	ssettag s2;
	_ =	strace s9  }
0x27: {  	s1 =	sld [smem:$0x3FA6]  }
0x28: {  	s2 =	sld [smem:$0x3FA7]  }
0x29: {  	s4 =	sld [smem:$0x3FA9]  }
0x2a: {  	p0 =	seq.s32 s5, $0x0;
	s5 =	sld [smem:$0x3FAA]  }
0x2b: {  	s6 =	sld [smem:$0x3FAB]  }
0x2c: {  	s7 =	sld [smem:$0x3FAC]  }
0x2d: {  	s3 =	simm.s32 $0x108;
	s8 =	sld [smem:$0x3FAD]  }
0x2e: {  	s3 =	simm.s32 @!p0 $0x1082;
	s9 =	sld [smem:$0x3FAE]  }
0x2f: {  	lr =	sadd.s32 s0, s3;
	s0 =	sld [smem:$0x3FA5]  }
0x30: {  	s3 =	sld [smem:$0x3FA8]  }
0x31: {  	[smem:$0x3FB1] =	sst s10  }
0x32: {  	s10 =	sld [smem:$0x3FAF];
	_ =	sdelay $0x3  }
0x33: {  	p0 =	seq.s32 s10, $0x1;
	s10 =	sld [smem:$0x3FB1];
	_ =	sdelay $0x3  }
0x34: {  	[smem:$0x3FB1] =	sst s10  }
0x35: {  	s10 =	sld [smem:$0x3FB0];
	_ =	sdelay $0x3  }
0x36: {  	p1 =	seq.s32 s10, $0x1;
	s10 =	sld [smem:$0x3FB1];
	_ =	sdelay $0x3  }
0x37: {  	[smem:$0x3FB1] =	sst s10  }
0x38: {  	s10 =	sld [smem:$0x3FB2]  }
0x39: {  	_ = 	snop;
	(pc) =	sbr.ind lr, $3  }
0x3a: {  	_ = 	snop  }
0x3b: {  	_ = 	snop  }
0x3c: {  	p2 =	seq.s32 s10, $0x1;
	s10 =	sld [smem:$0x3FB1]  }
0x3d: {  	_ =	shalt  }
0x3e: {  	_ =	shalt  }
0x3f: {  	_ =	shalt  }
0x40: {  	_ =	shalt  }
0x41: {  	_ =	shalt  }
0x42: {  	_ =	shalt  }
0x43: {  	_ =	shalt  }
0x44: {  	_ =	shalt  }
0x45: {  	_ =	shalt  }
0x46: {  	_ =	shalt  }
0x47: {  	_ =	shalt  }
0x48: {  	_ =	shalt  }
0x49: {  	_ =	shalt  }
0x4a: {  	_ =	shalt  }
0x4b: {  	_ =	shalt  }
0x4c: {  	_ =	shalt  }
0x4d: {  	_ =	shalt  }
0x4e: {  	_ =	shalt  }
0x4f: {  	_ =	shalt  }
0x50: {  	_ =	shalt  }
0x51: {  	_ =	shalt  }
0x52: {  	_ =	shalt  }
0x53: {  	_ =	shalt  }
0x54: {  	_ =	shalt  }
0x55: {  	_ =	shalt  }
0x56: {  	_ =	shalt  }
0x57: {  	_ =	shalt  }
0x58: {  	_ =	shalt  }
0x59: {  	_ =	shalt  }
0x5a: {  	_ =	shalt  }
0x5b: {  	_ =	shalt  }
0x5c: {  	_ =	shalt  }
0x5d: {  	_ =	shalt  }
0x5e: {  	_ =	shalt  }
0x5f: {  	_ =	shalt  }
0x60: {  	_ =	shalt  }
0x61: {  	_ =	shalt  }
0x62: {  	_ =	shalt  }
0x63: {  	_ =	shalt  }
0x64: {  	_ =	shalt  }
0x65: {  	_ =	shalt  }
0x66: {  	_ =	shalt  }
0x67: {  	_ =	shalt  }
0x68: {  	_ =	shalt  }
0x69: {  	_ =	shalt  }
0x6a: {  	_ =	shalt  }
0x6b: {  	_ =	shalt  }
0x6c: {  	_ =	shalt  }
0x6d: {  	_ =	shalt  }
0x6e: {  	_ =	shalt  }
0x6f: {  	_ =	shalt  }
0x70: {  	_ =	shalt  }
0x71: {  	_ =	shalt  }
0x72: {  	_ =	shalt  }
0x73: {  	_ =	shalt  }
0x74: {  	_ =	shalt  }
0x75: {  	_ =	shalt  }
0x76: {  	_ =	shalt  }
0x77: {  	_ =	shalt  }
0x78: {  	_ =	shalt  }
0x79: {  	_ =	shalt  }
0x7a: {  	_ =	shalt  }
0x7b: {  	_ =	shalt  }
0x7c: {  	_ =	shalt  }
0x7d: {  	_ =	shalt  }
0x7e: {  	_ =	shalt  }
0x7f: {  	_ =	shalt  }
0x80: {  	_ =	shalt  }
0x81: {  	_ =	shalt  }
0x82: {  	_ =	shalt  }
0x83: {  	_ =	shalt  }
0x84: {  	_ =	shalt  }
0x85: {  	_ =	shalt  }
0x86: {  	_ =	shalt  }
0x87: {  	_ =	shalt  }
.Lfunc_end0:
.L_simem_size_0:
called_computation.1_lowered:
.L_overlay_start_0:
0x88: {  	s2 =	sld [smem:$0x3FD9]  }
0x89: {  	s3 =	sld [smem:$0x3FFE];
	_ =	sdelay $0x1  }
0x8a: {  	s1 =	srdreg.scid  }
0x8b: {  	s0 =	sand.u32 $0x1, s1  }
0x8c: {  	s16 =	sshll.u32 s0, $0xA;
	s2 =	sadd.s32 s3, s2  }
0x8d: {  	s2 =	sadd.s32 s2, s16  }
0x8e: {  	[smem:$0x3FBD] =	sst s2  }
0x8f: {  	_ = 	snop  }
0x90: {  	(tm) =	ssettm $0x1  }
0x91: {  	s17 =	sld [smem:$0x3FFB];
	_ =	sdelay $0x3  }
0x92: {  	_ =	strace s17  }
0x93: {  	s2 =	sld [smem:$0x3FFC];
	_ =	sdelay $0x3  }
0x94: {  	_ =	strace s2  }
0x95: {  	s2 =	sld [smem:$0x3FFD];
	_ =	sdelay $0x3  }
0x96: {  	_ =	strace s2  }
0x97: {  	_ =	strace $0x8FFFFFFF  }
0x98: {  	s18 =	sld [smem:$0x3FDB];
	_ =	sdelay $0x1  }
0x99: {  	s19 =	simm.s32 $_scs_section_size  }
0x9a: {  	s4 =	simm.s32 $_size__tile_overlayer_lowered;
	s5 =	simm.s32 $_tile_overlayer_lowered  }
0x9b: {  	s22 =	simm.s32 $0x1BFF;
	s21 =	sshll.u32 s5, $0x1;
	s2 =	sadd.s32 s19, s18  }
0x9c: {  	s6 =	simm.s32 $0x0;
	s20 =	sshll.u32 s4, $0x1;
	s4 =	sadd.s32 s21, s2  }
0x9d: {  	[timem:s6], [sflag:s22] =	dma.local [hbm:s4], s20  }
0x9e: {  	_ =	swait.ge [sflag:s22], s20  }
0x9f: {  	s3 =	ssub.s32 $0x0, s20;
	[sflag:s22] =	ssyncset.done $0x0  }
0xa0: {  	[sflag:s22] =	ssyncadd.s32 s3;
	_ =	sdelay $0x1  }
0xa1: {  	s23 =	simm.s32 $0x1B8B  }
0xa2: {  	_ =	swait.ge [sflag:s23], $0x1  }
0xa3: {  	[sflag:s23] =	ssyncset.done $0x0  }
0xa4: {  	s25 =	simm.s32 $0x1B8E;
	s24 =	sld [smem:$0x3FFE];
	[sflag:s23] =	ssyncadd.s32 $0xFFFFFFFF  }
0xa5: {  	s26 =	simm.s32 $execute0_lowered;
	[smem:$0x3FD2] =	sst s25  }
0xa6: {  	s4 =	sshll.u32 s26, $0x1;
	_ =	strace $0x80000049;
	[dreg:$0x1] =	wrdreg $0xFFFFFFFF  }
0xa7: {  	s28 =	simm.s32 $_size_execute0_lowered;
	s2 =	sadd.s32 s2, s4;
	[dreg:$0x0] =	wrdreg $0x0  }
0xa8: {  	s4 =	sshll.u32 s28, $0x1;
	[dreg:$0x2] =	wrdreg s2  }
0xa9: {  	[dreg:$0x3] =	wrdreg s4  }
0xaa: {  	[dreg:$0x4] =	wrdreg $0xC0  }
0xab: {  	_ =	task [dreg:s6], $0x5FFFF  }
0xac: {  	[dreg:$0x1] =	wrdreg $0xFFFFFFFF  }
0xad: {  	[dreg:$0x0] =	wrdreg $0x60  }
0xae: {  	[dreg:$0x2] =	wrdreg s24  }
0xaf: {  	[dreg:$0x3] =	wrdreg $0x85000  }
0xb0: {  	[dreg:$0x4] =	wrdreg $0x9  }
0xb1: {  	_ =	task.clear_ibuf [dreg:s6], $0x5FFFF;
	_ =	strace $0x90000049  }
0xb2: {  	s29 =	simm.s32 $0x9;
	_ =	strace $0x8000004B  }
0xb3: {  	_ =	swait.ge [sflag:s29], $0x1  }
0xb4: {  	[sflag:s29] =	ssyncadd.s32 $0xFFFFFFFF  }
0xb5: {  	_ =	strace $0x9000004B  }
0xb6: {  	_ =	sfence  }
0xb7: {  	s30 =	sld [smem:$0x0];
	_ =	sdelay $0x2  }
0xb8: {  	s31 =	sshll.u32 s1, $0xD;
	s1 =	sshrl.u32 s1, $0x2  }
0xb9: {  	s3 =	sand.u32 $0x4000, s31;
	s1 =	sadd.s32 s1, s30  }
0xba: {  	s0 =	sor.u32 s3, s0;
	s1 =	sshll.u32 s1, $0x11  }
0xbb: {  	s0 =	sor.u32 s1, s0  }
0xbc: {  	s0 =	sadd.s32 $0x8F2B, s0  }
0xbd: {  	[sflag:s0] =	ssyncadd.remote.s32 $0x1  }
0xbe: {  	_ =	sfence.sel $0xFFFF  }
0xbf: {  	[dreg:$0x0] =	wrdreg $0xFFFFFFFF;
	(pc) =	sbr.abs _section_cstart, $3  }
0xc0: {  	[dreg:$0x1] =	wrdreg $0xFFFFFFFF  }
0xc1: {  	_ =	task.clear_ibuf [dreg:s6], $0x2FFFF;
	_ =	strace $0x9FFFFFFF  }
0xc2: {  	(tm) =	ssettm $0x7FFFFFFF  }
0xc3: {  	_ =	shalt  }
tec
execute0_lowered:
.L_overlay_start_1:
0x0: {  	(tag) =	ssettag $0x1  }
0x1: {  	s0 =	rddreg [dreg:$0x0]  }
0x2: {  	s1 =	rddreg [dreg:$0x1];
	s2 =	simm.s32 $0x0;
	s3 =	srdreg.scid  }
0x3: {  	s13 =	stileid.u32;
	s28 =	simm.s32 $0x500;
	s29 =	simm.s32 $0xB  }
0x4: {  	s31 =	simm.s32 $0x80;
	[smem:$0x7FF] =	sst s2;
	s4 =	sadd.s32 $0xC200, s0  }
0x5: {  	s3 =	sand.u32 $0x1, s3;
	s5 =	sadd.s32 $0x2400, s0;
	s8 =	smul.u32 $0x4E000, s13  }
0x6: {  	s6 =	sadd.s32 $0x64200, s0;
	s14 =	smul.u32 $0x2710, s13;
	p0 =	sne.s32 s13, $0xF  }
0x7: {  	_ =	strace $0x8000004A;
	s7 =	sshll.u32 s3, $0x4;
	s9 =	ssub.s32 $0x2, s3  }
0x8: {  	s3 =	smul.u32 $0x27100, s3;
	[dreg:$0x1d] =	wrdreg s4;
	s8 =	sshrl.u32 s8, $0x2  }
0x9: {  	[dreg:$0x1e] =	wrdreg s5;
	s7 =	sor.u32 s13, s7;
	s22 =	sadd.s32 s8, s1  }
0xa: {  	s10 =	sshrl.u32 s9, $0x1;
	s8 =	sadd.s32 $0x4000, s22;
	[dreg:$0x9] =	wrdreg s22  }
0xb: {  	s7 =	smul.u32 $0x2710, s7;
	s12 =	sadd.s32 $0x8000, s22;
	[dreg:$0xa] =	wrdreg s8  }
0xc: {  	s9 =	ssub.s32 s9, s10;
	s15 =	sadd.s32 $0xC000, s22;
	[dreg:$0xb] =	wrdreg s12  }
0xd: {  	s3 =	sadd.s32 s14, s3;
	s16 =	sadd.s32 $0x10000, s22;
	[dreg:$0xc] =	wrdreg s15  }
0xe: {  	s21 =	sadd.s32 $0x380, s3;
	s30 =	sadd.s32 $0x280, s3;
	[dreg:$0xd] =	wrdreg s16  }
0xf: {  	s7 =	sshrl.u32 s7, $0x3;
	s8 =	sshrl.u32 s21, $0x3;
	s12 =	sadd.s32 $0x300, s3  }
0x10: {  	s15 =	sshrl.u32 s30, $0x3;
	s30 =	sadd.s32 $0x200, s3;
	s17 =	sadd.s32 s4, s7  }
0x11: {  	s18 =	sadd.s32 $0x10, s7;
	s19 =	sadd.s32 s5, s7;
	[dreg:$0x1b] =	wrdreg s30  }
0x12: {  	s23 =	sadd.s32 $0x20, s7;
	s24 =	sadd.s32 s8, s5;
	[dreg:$0xe] =	wrdreg s17  }
0x13: {  	s8 =	sadd.s32 s8, s4;
	s25 =	sshrl.u32 s12, $0x3;
	[dreg:$0xf] =	wrdreg s19  }
0x14: {  	s16 =	sadd.s32 s15, s5;
	s21 =	sadd.s32 s15, s4;
	[dreg:$0x3] =	wrdreg s24  }
0x15: {  	s12 =	simm.s32 $0x7;
	s15 =	simm.s32 $0x4500;
	[dreg:$0x4] =	wrdreg s8  }
0x16: {  	s20 =	sadd.s32 s4, s18;
	s10 =	sadd.s32 s5, s18;
	[dreg:$0x7] =	wrdreg s16  }
0x17: {  	s11 =	sadd.s32 s4, s23;
	s26 =	sadd.s32 s25, s5;
	[dreg:$0x8] =	wrdreg s21  }
0x18: {  	s14 =	sadd.s32 s25, s4;
	s17 =	sadd.s32 $0x30, s7;
	[dreg:$0x10] =	wrdreg s20  }
0x19: {  	s18 =	smul.u32 $0x13800, s13;
	s7 =	sadd.s32 $0x4E0, s7;
	[dreg:$0x11] =	wrdreg s10  }
0x1a: {  	s8 =	simm.s32 $0x100;
	s13 =	simm.s32 $0x4;
	[dreg:$0x12] =	wrdreg s11  }
0x1b: {  	s16 =	simm.s32 $0x1;
	s21 =	simm.s32 $0xA;
	[dreg:$0x5] =	wrdreg s26  }
0x1c: {  	s10 =	sadd.s32 s5, s23;
	[dreg:$0x6] =	wrdreg s14;
	s19 =	sadd.s32 s4, s17  }
0x1d: {  	s20 =	sadd.s32 s5, s17;
	s24 =	sadd.s32 s4, s7;
	[dreg:$0x13] =	wrdreg s10  }
0x1e: {  	s7 =	sadd.s32 s5, s7;
	s26 =	smax.u32 s9, $0x1;
	[dreg:$0x14] =	wrdreg s19  }
0x1f: {  	s9 =	simm.s32 $0x300;
	s4 =	simm.s32 $0x180;
	[dreg:$0x15] =	wrdreg s20  }
0x20: {  	s5 =	simm.s32 $0x380;
	s11 =	simm.s32 $0x3;
	[dreg:$0x16] =	wrdreg s24  }
0x21: {  	s14 =	simm.s32 $0x8;
	s17 =	simm.s32 $0x5;
	[dreg:$0x17] =	wrdreg s7  }
0x22: {  	s23 =	sshrl.u32 s18, $0x3;
	[dreg:$0x1a] =	wrdreg s26;
	s24 =	sadd.s32 $0x138000, s1  }
0x23: {  	s10 =	simm.s32 $0x280;
	s18 =	simm.s32 $0x9;
	s19 =	simm.s32 $0x2  }
0x24: {  	s25 =	sadd.s32 s0, s23;
	s0 =	sadd.s32 $0xC72100, s0;
	[dreg:$0x1c] =	wrdreg s24  }
0x25: {  	s20 =	simm.s32 $0x6;
	s7 =	sadd.s32 $0xC4B100, s25;
	[dreg:$0x19] =	wrdreg s0  }
0x26: {  	v0 =	vimm.f32 $0.0e+00;
	s23 =	simm.s32 $0x0;
	s0 =	simm.s32 $0x200;
	[dreg:$0x18] =	wrdreg s7  }
.LBB2_1:
0x27: {  	s7 =	sand.u32 $0xFE00, s2  }
0x28: {  	[dreg:$0x1f] =	wrdreg s23;
	s30 =	sand.u32 $0x70, s2;
	s25 =	sshrl.u32 s7, $0x2  }
0x29: {  	s23 =	simm.s32 $0x0;
	s7 =	simm.s32 $0x40;
	s25 =	sor.u32 s30, s25  }
.LBB2_2:
0x2a: {  	p1 =	sne.s32 s7, $0xFFC0  }
0x2b: {  	[tilespmem:s25+$0x500] =	vst v0;
	s23 =	sadd.s32 $0x10, s23;
	s25 =	smov.u32 s7;
	s7 =	sadd.s32 $0x40, s7  }
.Ltmp0:
0x2c: {  	(pc) =	sbr.rel @p1 .LBB2_2-.Ltmp0, $4  }
0x2d: {  	_ = 	snop  }
0x2e: {  	s25 =	sand.u32 $0xFE00, s25  }
0x2f: {  	s26 =	sand.u32 $0x70, s23;
	s25 =	sshrl.u32 s25, $0x2  }
0x30: {  	s25 =	sor.u32 s26, s25  }
0x31: {  	[tilespmem:s25+$0x500] =	vst v0  }
0x32: {  	[spmem:s22] =	stream.linear.scatter [tilespmem:s28], [sflag:$0xB], $0x4000, $0x38;
	[tilespmem:$0x1BD80] =	vst v63  }
0x33: {  	_ =	swait.ge [sflag:s29], $0x4000  }
0x34: {  	[sflag:s29] =	ssyncset.done $0x0  }
0x35: {  	s3 =	rddreg [dreg:$0xa];
	[sflag:s29] =	ssyncadd.s32 $0xFFFFC000  }
0x36: {  	[spmem:s3] =	stream.linear.scatter [tilespmem:s28], [sflag:$0xB], $0x4000, $0x38;
	[tilespmem:$0x1BD80] =	vst v63  }
0x37: {  	_ =	swait.ge [sflag:s29], $0x4000  }
0x38: {  	[sflag:s29] =	ssyncset.done $0x0  }
0x39: {  	s26 =	rddreg [dreg:$0xb];
	[sflag:s29] =	ssyncadd.s32 $0xFFFFC000  }
0x3a: {  	[spmem:s26] =	stream.linear.scatter [tilespmem:s28], [sflag:$0xB], $0x4000, $0x38;
	[tilespmem:$0x1BD80] =	vst v63  }
0x3b: {  	_ =	swait.ge [sflag:s29], $0x4000  }
0x3c: {  	[sflag:s29] =	ssyncset.done $0x0  }
0x3d: {  	s7 =	rddreg [dreg:$0xc];
	[sflag:s29] =	ssyncadd.s32 $0xFFFFC000  }
0x3e: {  	[spmem:s7] =	stream.linear.scatter [tilespmem:s28], [sflag:$0xB], $0x4000, $0x38;
	[tilespmem:$0x1BD80] =	vst v63  }
0x3f: {  	_ =	swait.ge [sflag:s29], $0x4000  }
0x40: {  	[sflag:s29] =	ssyncset.done $0x0  }
0x41: {  	s22 =	rddreg [dreg:$0xd];
	[sflag:s29] =	ssyncadd.s32 $0xFFFFC000  }
0x42: {  	[spmem:s22] =	stream.linear.scatter [tilespmem:s28], [sflag:$0xB], $0x3800, $0x38;
	[tilespmem:$0x1BD80] =	vst v63  }
0x43: {  	_ =	swait.ge [sflag:s29], $0x3800  }
0x44: {  	[sflag:s29] =	ssyncset.done $0x0  }
0x45: {  	s7 =	simm.s32 @!p0 $0x500;
	[sflag:s29] =	ssyncadd.s32 $0xFFFFC800  }
0x46: {  	[spmem:s24] =	stream.linear.scatter @!p0 [tilespmem:s7], [sflag:$0xB], $0x800, $0x38;
	[tilespmem:$0x1BD80] =	vst v63  }
0x47: {  	s7 =	simm.s32 @!p0 $0xB  }
0x48: {  	_ =	swait.ge @!p0 [sflag:s7], $0x800  }
0x49: {  	[sflag:s7] =	ssyncset.done @!p0 $0x0  }
0x4a: {  	[sflag:s7] =	ssyncadd.s32 @!p0 $0xFFFFF800  }
0x4b: {  	[bflag:$0x0] =	sbarrier.arrive $0xFFFF  }
0x4c: {  	s7 =	simm.s32 $0x0;
	s23 =	rddreg [dreg:$0xe]  }
0x4d: {  	[tilespmem:s7], [sflag:$0x3] =	stream.linear.gather [hbm4b:s23+s7], $0x80, $0x38;
	[tilespmem:$0x1BD80] =	vst v63  }
0x4e: {  	s24 =	rddreg [dreg:$0xf]  }
0x4f: {  	[tilespmem:s0], [sflag:$0x7] =	stream.linear.gather [hbm4b:s24+s7], $0x80, $0x38;
	[tilespmem:$0x1BD80] =	vst v63  }
0x50: {  	s25 =	rddreg [dreg:$0x10]  }
0x51: {  	[tilespmem:s31], [sflag:$0x4] =	stream.linear.gather [hbm4b:s25+s7], $0x80, $0x38;
	[tilespmem:$0x1BD80] =	vst v63  }
0x52: {  	s26 =	rddreg [dreg:$0x11]  }
0x53: {  	[tilespmem:s10], [sflag:$0x8] =	stream.linear.gather [hbm4b:s26+s7], $0x80, $0x38;
	[tilespmem:$0x1BD80] =	vst v63  }
0x54: {  	s22 =	rddreg [dreg:$0x12]  }
0x55: {  	[tilespmem:s8], [sflag:$0x5] =	stream.linear.gather [hbm4b:s22+s7], $0x80, $0x38;
	[tilespmem:$0x1BD80] =	vst v63  }
0x56: {  	s23 =	rddreg [dreg:$0x13]  }
0x57: {  	[tilespmem:s9], [sflag:$0x9] =	stream.linear.gather [hbm4b:s23+s7], $0x80, $0x38;
	[tilespmem:$0x1BD80] =	vst v63  }
0x58: {  	s24 =	rddreg [dreg:$0x14]  }
0x59: {  	[tilespmem:s4], [sflag:$0x6] =	stream.linear.gather [hbm4b:s24+s7], $0x80, $0x38;
	[tilespmem:$0x1BD80] =	vst v63  }
0x5a: {  	s25 =	rddreg [dreg:$0x15]  }
0x5b: {  	[tilespmem:s5], [sflag:$0xA] =	stream.linear.gather [hbm4b:s25+s7], $0x80, $0x38;
	[tilespmem:$0x1BD80] =	vst v63  }
0x5c: {  	_ =	swait.ge [sflag:s11], $0x80  }
0x5d: {  	[sflag:s11] =	ssyncset.done $0x0  }
0x5e: {  	[sflag:s11] =	ssyncadd.s32 $0xFFFFFF80  }
0x5f: {  	_ =	swait.ge [sflag:s12], $0x80  }
0x60: {  	[sflag:s12] =	ssyncset.done $0x0  }
0x61: {  	[sflag:s12] =	ssyncadd.s32 $0xFFFFFF80  }
0x62: {  	[tilespmem:s28], [sflag:$0x1] =	stream.indirect.gather [hbm4b:s6+s31], $0x80, s7, s31, $0xb8;
	[tilespmem:$0x1BD80] =	vst v63  }
0x63: {  	_ =	swait.ge [sflag:s13], $0x80  }
0x64: {  	[sflag:s13] =	ssyncset.done $0x0  }
0x65: {  	[sflag:s13] =	ssyncadd.s32 $0xFFFFFF80  }
0x66: {  	_ =	swait.ge [sflag:s14], $0x80  }
0x67: {  	[sflag:s14] =	ssyncset.done $0x0  }
0x68: {  	[sflag:s14] =	ssyncadd.s32 $0xFFFFFF80  }
0x69: {  	[tilespmem:s15], [sflag:$0x2] =	stream.indirect.gather [hbm4b:s6+s31], $0x80, s31, s31, $0xb8;
	[tilespmem:$0x1BD80] =	vst v63  }
0x6a: {  	_ =	swait.ge [sflag:s16], $0x4000  }
0x6b: {  	[sflag:s16] =	ssyncset.done $0x0  }
0x6c: {  	[sflag:s16] =	ssyncadd.s32 $0xFFFFC000  }
0x6d: {  	[spmem:s1] =	stream.indirect.scatter.add.f32 [tilespmem:s28], [sflag:$0xB], $0x80, s0, s31, $0xb8;
	[tilespmem:$0x1BD80] =	vst v63  }
0x6e: {  	_ =	swait.ge [sflag:s29], $0x4000  }
0x6f: {  	s3 =	rddreg [dreg:$0x1b]  }
0x70: {  	[sflag:s29] =	ssyncset.done $0x0;
	s5 =	rddreg [dreg:$0x1d];
	s26 =	sshrl.u32 s3, $0x3  }
0x71: {  	s30 =	rddreg [dreg:$0x1e];
	[sflag:s29] =	ssyncadd.s32 $0xFFFFC000;
	s23 =	sadd.s32 s5, s26  }
0x72: {  	[tilespmem:s2], [sflag:$0x3] =	stream.linear.gather [hbm4b:s23+s2], $0x80, $0x38;
	[tilespmem:$0x1BD80] =	vst v63  }
0x73: {  	s7 =	sadd.s32 s30, s26  }
0x74: {  	[tilespmem:s0], [sflag:$0x7] =	stream.linear.gather [hbm4b:s7+s2], $0x80, $0x38;
	[tilespmem:$0x1BD80] =	vst v63  }
0x75: {  	_ =	swait.ge [sflag:s17], $0x80  }
0x76: {  	[sflag:s17] =	ssyncset.done $0x0  }
0x77: {  	[sflag:s17] =	ssyncadd.s32 $0xFFFFFF80  }
0x78: {  	_ =	swait.ge [sflag:s18], $0x80  }
0x79: {  	[sflag:s18] =	ssyncset.done $0x0  }
0x7a: {  	[sflag:s18] =	ssyncadd.s32 $0xFFFFFF80  }
0x7b: {  	[tilespmem:s28], [sflag:$0x1] =	stream.indirect.gather [hbm4b:s6+s31], $0x80, s8, s31, $0xb8;
	[tilespmem:$0x1BD80] =	vst v63  }
0x7c: {  	_ =	swait.ge [sflag:s19], $0x4000  }
0x7d: {  	[sflag:s19] =	ssyncset.done $0x0  }
0x7e: {  	[sflag:s19] =	ssyncadd.s32 $0xFFFFC000  }
0x7f: {  	[spmem:s1] =	stream.indirect.scatter.add.f32 [tilespmem:s15], [sflag:$0xB], $0x80, s10, s31, $0xb8;
	[tilespmem:$0x1BD80] =	vst v63  }
0x80: {  	_ =	swait.ge [sflag:s29], $0x4000  }
0x81: {  	s24 =	rddreg [dreg:$0x8];
	[sflag:s29] =	ssyncset.done $0x0  }
0x82: {  	s25 =	rddreg [dreg:$0x7];
	[sflag:s29] =	ssyncadd.s32 $0xFFFFC000;
	s7 =	sadd.s32 $0x0, s24  }
0x83: {  	[tilespmem:s31], [sflag:$0x4] =	stream.linear.gather [hbm4b:s7+s2], $0x80, $0x38;
	[tilespmem:$0x1BD80] =	vst v63  }
0x84: {  	s26 =	sadd.s32 $0x0, s25  }
0x85: {  	[tilespmem:s10], [sflag:$0x8] =	stream.linear.gather [hbm4b:s26+s2], $0x80, $0x38;
	[tilespmem:$0x1BD80] =	vst v63  }
0x86: {  	_ =	swait.ge [sflag:s20], $0x80  }
0x87: {  	[sflag:s20] =	ssyncset.done $0x0  }
0x88: {  	[sflag:s20] =	ssyncadd.s32 $0xFFFFFF80  }
0x89: {  	_ =	swait.ge [sflag:s21], $0x80  }
0x8a: {  	[sflag:s21] =	ssyncset.done $0x0  }
0x8b: {  	[sflag:s21] =	ssyncadd.s32 $0xFFFFFF80  }
0x8c: {  	[tilespmem:s15], [sflag:$0x2] =	stream.indirect.gather [hbm4b:s6+s31], $0x80, s4, s31, $0xb8;
	[tilespmem:$0x1BD80] =	vst v63  }
0x8d: {  	_ =	swait.ge [sflag:s16], $0x4000  }
0x8e: {  	[sflag:s16] =	ssyncset.done $0x0  }
0x8f: {  	p1 =	por $0x0, $0x0;
	[sflag:s16] =	ssyncadd.s32 $0xFFFFC000  }
0x90: {  	[spmem:s1] =	stream.indirect.scatter.add.f32 [tilespmem:s28], [sflag:$0xB], $0x80, s9, s31, $0xb8;
	[tilespmem:$0x1BD80] =	vst v63  }
0x91: {  	s25 =	simm.s32 @!p1 $0x0;
	_ =	swait.ge [sflag:s29], $0x4000  }
0x92: {  	s26 =	simm.s32 @!p1 $0x100;
	s7 =	rddreg [dreg:$0x6];
	[sflag:s29] =	ssyncset.done $0x0  }
0x93: {  	s23 =	rddreg [dreg:$0x5];
	[sflag:s29] =	ssyncadd.s32 $0xFFFFC000;
	s7 =	sadd.s32 @!p1 $0x0, s7  }
0x94: {  	[tilespmem:s26], [sflag:$0x5] =	stream.linear.gather @!p1 [hbm4b:s7+s25], $0x80, $0x38;
	[tilespmem:$0x1BD80] =	vst v63  }
0x95: {  	s23 =	sadd.s32 @!p1 $0x0, s23;
	s7 =	simm.s32 @!p1 $0x300  }
0x96: {  	[tilespmem:s7], [sflag:$0x9] =	stream.linear.gather @!p1 [hbm4b:s23+s25], $0x80, $0x38;
	[tilespmem:$0x1BD80] =	vst v63  }
0x97: {  	_ =	swait.ge [sflag:s11], $0x80  }
0x98: {  	[sflag:s11] =	ssyncset.done $0x0  }
0x99: {  	[sflag:s11] =	ssyncadd.s32 $0xFFFFFF80  }
0x9a: {  	_ =	swait.ge [sflag:s12], $0x80  }
0x9b: {  	[sflag:s12] =	ssyncset.done $0x0  }
0x9c: {  	[sflag:s12] =	ssyncadd.s32 $0xFFFFFF80  }
0x9d: {  	[tilespmem:s28], [sflag:$0x1] =	stream.indirect.gather [hbm4b:s6+s31], $0x80, s2, s31, $0xb8;
	[tilespmem:$0x1BD80] =	vst v63  }
0x9e: {  	_ =	swait.ge [sflag:s19], $0x4000  }
0x9f: {  	[sflag:s19] =	ssyncset.done $0x0  }
0xa0: {  	s22 =	simm.s32 $0x380;
	[sflag:s19] =	ssyncadd.s32 $0xFFFFC000  }
0xa1: {  	[spmem:s1] =	stream.indirect.scatter.add.f32 [tilespmem:s15], [sflag:$0xB], $0x80, s22, s31, $0xb8;
	[tilespmem:$0x1BD80] =	vst v63  }
0xa2: {  	_ =	swait.ge [sflag:s29], $0x4000  }
0xa3: {  	s26 =	simm.s32 @!p1 $0x180;
	s7 =	rddreg [dreg:$0x4];
	[sflag:s29] =	ssyncset.done $0x0  }
0xa4: {  	s23 =	rddreg [dreg:$0x3];
	[sflag:s29] =	ssyncadd.s32 $0xFFFFC000;
	s7 =	sadd.s32 @!p1 $0x0, s7  }
0xa5: {  	[tilespmem:s26], [sflag:$0x6] =	stream.linear.gather @!p1 [hbm4b:s7+s25], $0x80, $0x38;
	[tilespmem:$0x1BD80] =	vst v63  }
0xa6: {  	s23 =	sadd.s32 @!p1 $0x0, s23;
	s7 =	simm.s32 @!p1 $0x380  }
0xa7: {  	[tilespmem:s7], [sflag:$0xA] =	stream.linear.gather @!p1 [hbm4b:s23+s25], $0x80, $0x38;
	[tilespmem:$0x1BD80] =	vst v63  }
0xa8: {  	_ =	swait.ge [sflag:s13], $0x80  }
0xa9: {  	[sflag:s13] =	ssyncset.done $0x0  }
0xaa: {  	s0 =	simm.s32 $0x200;
	s10 =	simm.s32 $0x280;
	[sflag:s13] =	ssyncadd.s32 $0xFFFFFF80  }
0xab: {  	s4 =	simm.s32 $0x180;
	s9 =	simm.s32 $0x100;
	_ =	swait.ge [sflag:s14], $0x80  }
0xac: {  	s23 =	simm.s32 $0x40;
	s25 =	smov.u32 s3;
	[sflag:s14] =	ssyncset.done $0x0  }
.LBB2_4:
0xad: {  	[sflag:s14] =	ssyncadd.s32 $0xFFFFFF80  }
0xae: {  	[tilespmem:s15], [sflag:$0x2] =	stream.indirect.gather [hbm4b:s6+s31], $0x80, s31, s31, $0xb8;
	[tilespmem:$0x1BD80] =	vst v63  }
0xaf: {  	_ =	swait.ge [sflag:s16], $0x4000  }
0xb0: {  	[sflag:s16] =	ssyncset.done $0x0  }
0xb1: {  	[sflag:s16] =	ssyncadd.s32 $0xFFFFC000  }
0xb2: {  	[spmem:s1] =	stream.indirect.scatter.add.f32 [tilespmem:s28], [sflag:$0xB], $0x80, s0, s31, $0xb8;
	[tilespmem:$0x1BD80] =	vst v63  }
0xb3: {  	s25 =	sadd.s32 $0x200, s25;
	_ =	swait.ge [sflag:s29], $0x4000  }
0xb4: {  	s26 =	sshrl.u32 s25, $0x3;
	[sflag:s29] =	ssyncset.done $0x0  }
0xb5: {  	s24 =	sadd.s32 s5, s26;
	[sflag:s29] =	ssyncadd.s32 $0xFFFFC000  }
0xb6: {  	[tilespmem:s2], [sflag:$0x3] =	stream.linear.gather [hbm4b:s24+s2], $0x80, $0x38;
	[tilespmem:$0x1BD80] =	vst v63  }
0xb7: {  	s26 =	sadd.s32 s30, s26  }
0xb8: {  	[tilespmem:s0], [sflag:$0x7] =	stream.linear.gather [hbm4b:s26+s2], $0x80, $0x38;
	[tilespmem:$0x1BD80] =	vst v63  }
0xb9: {  	_ =	swait.ge [sflag:s17], $0x80  }
0xba: {  	[sflag:s17] =	ssyncset.done $0x0  }
0xbb: {  	[sflag:s17] =	ssyncadd.s32 $0xFFFFFF80  }
0xbc: {  	_ =	swait.ge [sflag:s18], $0x80  }
0xbd: {  	[sflag:s18] =	ssyncset.done $0x0  }
0xbe: {  	[sflag:s18] =	ssyncadd.s32 $0xFFFFFF80  }
0xbf: {  	[tilespmem:s28], [sflag:$0x1] =	stream.indirect.gather [hbm4b:s6+s31], $0x80, s9, s31, $0xb8;
	[tilespmem:$0x1BD80] =	vst v63  }
0xc0: {  	_ =	swait.ge [sflag:s19], $0x4000  }
0xc1: {  	[sflag:s19] =	ssyncset.done $0x0  }
0xc2: {  	[sflag:s19] =	ssyncadd.s32 $0xFFFFC000  }
0xc3: {  	[spmem:s1] =	stream.indirect.scatter.add.f32 [tilespmem:s15], [sflag:$0xB], $0x80, s10, s31, $0xb8;
	[tilespmem:$0x1BD80] =	vst v63  }
0xc4: {  	_ =	swait.ge [sflag:s29], $0x4000  }
0xc5: {  	s7 =	smov.u32 s23;
	s3 =	rddreg [dreg:$0x8];
	[sflag:s29] =	ssyncset.done $0x0  }
0xc6: {  	s8 =	rddreg [dreg:$0x7];
	[sflag:s29] =	ssyncadd.s32 $0xFFFFC000;
	s24 =	sadd.s32 s7, s3  }
0xc7: {  	[tilespmem:s31], [sflag:$0x4] =	stream.linear.gather [hbm4b:s24+s2], $0x80, $0x38;
	[tilespmem:$0x1BD80] =	vst v63  }
0xc8: {  	s22 =	sadd.s32 s7, s8  }
0xc9: {  	[tilespmem:s10], [sflag:$0x8] =	stream.linear.gather [hbm4b:s22+s2], $0x80, $0x38;
	[tilespmem:$0x1BD80] =	vst v63  }
0xca: {  	_ =	swait.ge [sflag:s20], $0x80  }
0xcb: {  	[sflag:s20] =	ssyncset.done $0x0  }
0xcc: {  	[sflag:s20] =	ssyncadd.s32 $0xFFFFFF80  }
0xcd: {  	_ =	swait.ge [sflag:s21], $0x80  }
0xce: {  	[sflag:s21] =	ssyncset.done $0x0  }
0xcf: {  	[sflag:s21] =	ssyncadd.s32 $0xFFFFFF80  }
0xd0: {  	[tilespmem:s15], [sflag:$0x2] =	stream.indirect.gather [hbm4b:s6+s31], $0x80, s4, s31, $0xb8;
	[tilespmem:$0x1BD80] =	vst v63  }
0xd1: {  	_ =	swait.ge [sflag:s16], $0x4000  }
0xd2: {  	[sflag:s16] =	ssyncset.done $0x0  }
0xd3: {  	p2 =	seq.s32 s7, $0x480;
	s3 =	simm.s32 $0x300;
	[sflag:s16] =	ssyncadd.s32 $0xFFFFC000  }
0xd4: {  	[spmem:s1] =	stream.indirect.scatter.add.f32 [tilespmem:s28], [sflag:$0xB], $0x80, s3, s31, $0xb8;
	[tilespmem:$0x1BD80] =	vst v63  }
0xd5: {  	s22 =	simm.s32 @!p2 $0x0;
	_ =	swait.ge [sflag:s29], $0x4000  }
0xd6: {  	s3 =	simm.s32 @!p2 $0x100;
	s24 =	rddreg [dreg:$0x6];
	[sflag:s29] =	ssyncset.done $0x0  }
0xd7: {  	s26 =	rddreg [dreg:$0x5];
	[sflag:s29] =	ssyncadd.s32 $0xFFFFC000;
	s24 =	sadd.s32 @!p2 s7, s24  }
0xd8: {  	[tilespmem:s3], [sflag:$0x5] =	stream.linear.gather @!p2 [hbm4b:s24+s22], $0x80, $0x38;
	[tilespmem:$0x1BD80] =	vst v63  }
0xd9: {  	s8 =	simm.s32 @!p2 $0x300;
	s3 =	sadd.s32 @!p2 s7, s26  }
0xda: {  	[tilespmem:s8], [sflag:$0x9] =	stream.linear.gather @!p2 [hbm4b:s3+s22], $0x80, $0x38;
	[tilespmem:$0x1BD80] =	vst v63  }
0xdb: {  	_ =	swait.ge [sflag:s11], $0x80  }
0xdc: {  	[sflag:s11] =	ssyncset.done $0x0  }
0xdd: {  	[sflag:s11] =	ssyncadd.s32 $0xFFFFFF80  }
0xde: {  	_ =	swait.ge [sflag:s12], $0x80  }
0xdf: {  	[sflag:s12] =	ssyncset.done $0x0  }
0xe0: {  	[sflag:s12] =	ssyncadd.s32 $0xFFFFFF80  }
0xe1: {  	[tilespmem:s28], [sflag:$0x1] =	stream.indirect.gather [hbm4b:s6+s31], $0x80, s2, s31, $0xb8;
	[tilespmem:$0x1BD80] =	vst v63  }
0xe2: {  	_ =	swait.ge [sflag:s19], $0x4000  }
0xe3: {  	[sflag:s19] =	ssyncset.done $0x0  }
0xe4: {  	s26 =	simm.s32 $0x380;
	[sflag:s19] =	ssyncadd.s32 $0xFFFFC000  }
0xe5: {  	[spmem:s1] =	stream.indirect.scatter.add.f32 [tilespmem:s15], [sflag:$0xB], $0x80, s26, s31, $0xb8;
	[tilespmem:$0x1BD80] =	vst v63  }
0xe6: {  	s23 =	sadd.s32 $0x40, s23;
	_ =	swait.ge [sflag:s29], $0x4000  }
0xe7: {  	s24 =	simm.s32 @!p2 $0x180;
	s3 =	rddreg [dreg:$0x4];
	[sflag:s29] =	ssyncset.done $0x0  }
0xe8: {  	s8 =	rddreg [dreg:$0x3];
	[sflag:s29] =	ssyncadd.s32 $0xFFFFC000;
	s3 =	sadd.s32 @!p2 s7, s3  }
0xe9: {  	[tilespmem:s24], [sflag:$0x6] =	stream.linear.gather @!p2 [hbm4b:s3+s22], $0x80, $0x38;
	[tilespmem:$0x1BD80] =	vst v63  }
0xea: {  	p1 =	sne.s32 s23, $0x4C0;
	s26 =	simm.s32 @!p2 $0x380;
	s3 =	sadd.s32 @!p2 s7, s8  }
0xeb: {  	[tilespmem:s26], [sflag:$0xA] =	stream.linear.gather @!p2 [hbm4b:s3+s22], $0x80, $0x38;
	[tilespmem:$0x1BD80] =	vst v63  }
.Ltmp1:
0xec: {  	_ =	swait.ge [sflag:s13], $0x80;
	(pc) =	sbr.rel @p1 .LBB2_4-.Ltmp1, $4  }
0xed: {  	[sflag:s13] =	ssyncset.done $0x0  }
0xee: {  	[sflag:s13] =	ssyncadd.s32 $0xFFFFFF80  }
0xef: {  	_ =	swait.ge [sflag:s14], $0x80  }
0xf0: {  	[sflag:s14] =	ssyncset.done $0x0  }
0xf1: {  	[sflag:s14] =	ssyncadd.s32 $0xFFFFFF80  }
0xf2: {  	[tilespmem:s15], [sflag:$0x2] =	stream.indirect.gather [hbm4b:s6+s31], $0x80, s31, s31, $0xb8;
	[tilespmem:$0x1BD80] =	vst v63  }
0xf3: {  	_ =	swait.ge [sflag:s16], $0x4000  }
0xf4: {  	[sflag:s16] =	ssyncset.done $0x0  }
0xf5: {  	[sflag:s16] =	ssyncadd.s32 $0xFFFFC000  }
0xf6: {  	[spmem:s1] =	stream.indirect.scatter.add.f32 [tilespmem:s28], [sflag:$0xB], $0x80, s0, s31, $0xb8;
	[tilespmem:$0x1BD80] =	vst v63  }
0xf7: {  	_ =	swait.ge [sflag:s29], $0x4000  }
0xf8: {  	[sflag:s29] =	ssyncset.done $0x0  }
0xf9: {  	[sflag:s29] =	ssyncadd.s32 $0xFFFFC000  }
0xfa: {  	_ =	swait.ge [sflag:s19], $0x4000  }
0xfb: {  	[sflag:s19] =	ssyncset.done $0x0  }
0xfc: {  	[sflag:s19] =	ssyncadd.s32 $0xFFFFC000  }
0xfd: {  	[spmem:s1] =	stream.indirect.scatter.add.f32 [tilespmem:s15], [sflag:$0xB], $0x80, s10, s31, $0xb8;
	[tilespmem:$0x1BD80] =	vst v63  }
0xfe: {  	_ =	swait.ge [sflag:s29], $0x4000  }
0xff: {  	[sflag:s29] =	ssyncset.done $0x0  }
0x100: {  	s23 =	simm.s32 $0x400;
	s3 =	rddreg [dreg:$0x16];
	[sflag:s29] =	ssyncadd.s32 $0xFFFFC000  }
0x101: {  	[tilespmem:s23], [sflag:$0xB] =	stream.linear.gather [hbm4b:s3+s2], $0x10, $0x38;
	[tilespmem:$0x1BD80] =	vst v63  }
0x102: {  	_ =	swait.ge [sflag:s29], $0x10  }
0x103: {  	[sflag:s29] =	ssyncset.done $0x0  }
0x104: {  	s4 =	simm.s32 $0x480;
	s24 =	rddreg [dreg:$0x17];
	[sflag:s29] =	ssyncadd.s32 $0xFFFFFFF0  }
0x105: {  	[tilespmem:s4], [sflag:$0xB] =	stream.linear.gather [hbm4b:s24+s2], $0x10, $0x38;
	[tilespmem:$0x1BD80] =	vst v63  }
0x106: {  	_ =	swait.ge [sflag:s29], $0x10  }
0x107: {  	[sflag:s29] =	ssyncset.done $0x0  }
0x108: {  	s25 =	simm.s32 $0x10;
	[sflag:s29] =	ssyncadd.s32 $0xFFFFFFF0  }
0x109: {  	[tilespmem:s28], [sflag:$0x1] =	stream.indirect.gather [hbm4b:s6+s25], $0x80, s23, s25, $0xb8;
	[tilespmem:$0x1BD80] =	vst v63  }
0x10a: {  	_ =	swait.ge [sflag:s16], $0x800  }
0x10b: {  	[sflag:s16] =	ssyncset.done $0x0  }
0x10c: {  	[sflag:s16] =	ssyncadd.s32 $0xFFFFF800  }
0x10d: {  	[spmem:s1] =	stream.indirect.scatter.add.f32 [tilespmem:s28], [sflag:$0xB], $0x80, s4, s25, $0xb8;
	[tilespmem:$0x1BD80] =	vst v63  }
0x10e: {  	_ =	swait.ge [sflag:s29], $0x800  }
0x10f: {  	[sflag:s29] =	ssyncset.done $0x0  }
0x110: {  	[sflag:s29] =	ssyncadd.s32 $0xFFFFF800  }
0x111: {  	s26 =	stileid.u32;
	[bflag:$0x0] =	sbarrier.arrive $0xFFFF  }
0x112: {  	s3 =	sshll.u32 s26, $0x6;
	s22 =	rddreg [dreg:$0x9]  }
0x113: {  	s3 =	sor.u32 $0x1C0B, s3;
	s8 =	rddreg [dreg:$0x18];
	s7 =	sshrl.u32 s22, $0x3  }
0x114: {  	[hbm:s8], [sflag:s3] =	dma.local [spmem:s7], $0x2700  }
0x115: {  	_ =	swait.ge [sflag:s29], $0x2700  }
0x116: {  	[sflag:s29] =	ssyncset.done $0x0;
	s24 =	rddreg [dreg:$0x1c]  }
0x117: {  	s8 =	rddreg [dreg:$0x19];
	[sflag:s29] =	ssyncadd.s32 $0xFFFFD900;
	s7 =	sshrl.u32 @!p0 s24, $0x3  }
0x118: {  	[hbm:s8], [sflag:s3] =	dma.local @!p0 [spmem:s7], $0x100  }
0x119: {  	s3 =	simm.s32 @!p0 $0xB  }
0x11a: {  	_ =	swait.ge @!p0 [sflag:s3], $0x100  }
0x11b: {  	s23 =	rddreg [dreg:$0x1f]  }
0x11c: {  	s30 =	rddreg [dreg:$0x1a];
	s23 =	sadd.s32 $0x1, s23  }
0x11d: {  	p1 =	sne.s32 s23, s30  }
.Ltmp2:
0x11e: {  	_ = 	snop;
	(pc) =	sbr.rel @p1 .LBB2_1-.Ltmp2, $4  }
0x11f: {  	_ = 	snop  }
0x120: {  	s9 =	simm.s32 $0x300;
	s5 =	simm.s32 $0x380  }
0x121: {  	s0 =	simm.s32 $0x200;
	s10 =	simm.s32 $0x280;
	[sflag:s3] =	ssyncset.done @!p0 $0x0  }
0x122: {  	s4 =	simm.s32 $0x180;
	s8 =	simm.s32 $0x100;
	[sflag:s3] =	ssyncadd.s32 @!p0 $0xFFFFFF00  }
0x123: {  	_ =	sfence.sel $0x180000  }
0x124: {  	[bflag:$0x0] =	sbarrier.arrive $0xFFFF  }
0x125: {  	_ =	strace $0x9000004A  }
0x126: {  	s0 =	stileid.u32;
	[bflag:$0x2] =	sbarrier.arrive $0xFFFF  }
0x127: {  	p0 =	sne.s32 s0, $0x0;
	s0 =	rddreg [dreg:$0x2]  }
0x128: {  	s0 =	sadd.s32 @!p0 $0x100000, s0  }
0x129: {  	[sflag:s0] =	ssyncadd.tile.s32 @!p0 $0x1;
	_ =	shalt  }
.Lfunc_end2:
_tile_overlayer_lowered:
.L_overlay_start_2:
0x12a: {  	(tag) =	ssettag $0x2  }
0x12b: {  	s0 =	rddreg [dreg:$0x0];
	s2 =	stileid.u32  }
0x12c: {  	s1 =	rddreg [dreg:$0x1];
	p0 =	sne.s32 s2, $0x0  }
0x12d: {  	s3 =	rddreg [dreg:$0x2];
	[bflag:$0x3] =	sbarrier.arrive $0xFFFF;
	s2 =	simm.s32 @!p0 $0x1C0B  }
0x12e: {  	[timem:s3], [sflag:s2] =	dma.local @!p0 [hbm:s0], s1  }
0x12f: {  	s0 =	simm.s32 @!p0 $0xB  }
0x130: {  	_ =	swait.ge @!p0 [sflag:s0], s1  }
0x131: {  	s1 =	ssub.s32 @!p0 $0x0, s1;
	[sflag:s0] =	ssyncset.done @!p0 $0x0  }
0x132: {  	[sflag:s0] =	ssyncadd.s32 @!p0 s1  }
0x133: {  	[bflag:$0x3] =	sbarrier.arrive $0xFFFF  }
0x134: {  	_ =	shalt  }

</sc_bundles>
